<compile_context>
chip_gen: v7x
topology: tpu7x:2x2x1
jax: 0.10.2.dev20260603
libtpu: 0.0.44.dev20260713+nightly
codegen_flags: <defaults>
</compile_context>

<pallas_src>
import functools

import jax
import jax.numpy as jnp
from jax import lax
from jax.experimental import pallas as pl
from jax.experimental.pallas import tpu as pltpu
from jax.experimental.pallas import tpu_sc as plsc

_NC = 2
_NS = 16
_NW = _NC * _NS
_LANES = 16

_LOG1P_C = (0.98746072, -0.40843993, 0.11466497)


def _proj_body(w_ref, b_ref, x_ref, p_ref):
    h = x_ref.shape[1]
    wd = w_ref[1:2, :] - w_ref[0:1, :]
    lhs = jnp.concatenate([wd[:, :h], wd[:, h:]], axis=0)
    p = lax.dot_general(lhs, x_ref[...], (((1,), (1,)), ((), ())),
                        preferred_element_type=jnp.float32)
    row = lax.broadcasted_iota(jnp.int32, p.shape, 0)
    p_ref[...] = p + jnp.where(row == 0, b_ref[1] - b_ref[0], 0.0)


def _softplus(d):
    t = jnp.exp(-jnp.abs(d))
    acc = jnp.full(d.shape, _LOG1P_C[-1], jnp.float32)
    for c in _LOG1P_C[-2::-1]:
        acc = acc * t + c
    return jnp.maximum(d, 0.0) + acc * t


def _make_sc_kernel(n_nodes, n_edges, cols, cols_last):
    mesh = plsc.VectorSubcoreMesh(core_axis_name="c", subcore_axis_name="s")
    nb = cols // 128
    nb_last = cols_last // 128

    @functools.partial(
        pl.kernel,
        out_type=jax.ShapeDtypeStruct((n_edges // 128, 2, 128), jnp.float32),
        mesh=mesh,
        scratch_types=[
            pltpu.VMEM((2, n_nodes), jnp.float32),
            pltpu.VMEM((2, cols_last), jnp.int32),
            pltpu.VMEM((cols_last // 128, 2, 128), jnp.float32),
            pltpu.SemaphoreType.DMA,
            pltpu.SemaphoreType.DMA,
        ],
        compiler_params=pltpu.CompilerParams(needs_layout_passes=False),
    )
    def sc_kernel(t_hbm, edges_hbm, out_hbm,
                  t_v, e_v, ov_v, sem_t, sem_e):
        wid = lax.axis_index("s") * _NC + lax.axis_index("c")
        base = wid * cols
        cp_t = pltpu.async_copy(t_hbm, t_v, sem_t)
        cp_e = pltpu.async_copy(edges_hbm.at[:, pl.ds(base, cols_last)],
                                e_v, sem_e)
        cp_t.wait()
        cp_e.wait()
        zero16 = jnp.zeros((_LANES,), jnp.int32)
        one16 = zero16 + 1
        n_blocks = jnp.where(wid == _NW - 1, nb_last, nb)

        @plsc.parallel_loop(0, n_blocks, 1)
        def _(g):
            for k in range(8):
                off = g * 128 + k * _LANES
                idx_s = e_v[0, pl.ds(off, _LANES)]
                idx_d = e_v[1, pl.ds(off, _LANES)]
                a = plsc.load_gather(t_v, [zero16, idx_s])
                c = plsc.load_gather(t_v, [one16, idx_d])
                d = a + c
                sp = _softplus(d)
                ov_v[g, 0, pl.ds(k * _LANES, _LANES)] = -sp
                ov_v[g, 1, pl.ds(k * _LANES, _LANES)] = d - sp

        gbase = wid * nb
        pltpu.sync_copy(ov_v.at[pl.ds(0, nb)], out_hbm.at[pl.ds(gbase, nb)])

        @pl.when(wid == _NW - 1)
        def _():
            pltpu.sync_copy(ov_v.at[pl.ds(nb, nb_last - nb)],
                            out_hbm.at[pl.ds(gbase + nb, nb_last - nb)])

    return sc_kernel


def kernel(node_features_after_gcn, edges, W, b):
    x = node_features_after_gcn
    n_nodes, hidden = x.shape
    n_edges = edges.shape[1]

    cols = (n_edges // _NW) // 128 * 128
    cols_last = n_edges - (_NW - 1) * cols

    rows = 5120
    proj = pl.pallas_call(
        _proj_body,
        grid=(2,),
        in_specs=[
            pl.BlockSpec((2, 2 * hidden), lambda i: (0, 0)),
            pl.BlockSpec(memory_space=pltpu.SMEM),
            pl.BlockSpec((rows, hidden), lambda i: (i, 0)),
        ],
        out_specs=pl.BlockSpec((2, rows), lambda i: (0, i)),
        out_shape=jax.ShapeDtypeStruct((2, n_nodes), jnp.float32),
    )(W, b, x)

    flat = _make_sc_kernel(n_nodes, n_edges, cols, cols_last)(proj, edges)

    return flat.transpose(0, 2, 1).reshape(n_edges, 2)

# --- scband reference (transcript-rebuilt; emitter-appended) ---
"""Pipeline reference for scband-link-prediction-91250875171134 (READ-ONLY COPY).

The authoritative reference and input builder live on the scoring server;
editing this copy changes nothing except your own understanding.
"""

import jax, jax.numpy as jnp
import numpy as np

N_NODES = 10000
N_EDGES = 160000
HIDDEN = 256

def setup_inputs(seed: int = 0) -> dict:
    key = jax.random.key(seed)
    k1, k2, k3, k4 = jax.random.split(key, 4)
    node_features_after_gcn = jax.random.normal(k1, (N_NODES, HIDDEN), dtype=jnp.float32)
    edges = jax.random.randint(k2, (2, N_EDGES), 0, N_NODES, dtype=jnp.int32)
    # nn.Linear(2*hidden_dim, 2): weight [2, 2*hidden], bias [2]
    bound = 1.0 / np.sqrt(2 * HIDDEN)
    W = jax.random.uniform(k3, (2, 2 * HIDDEN), dtype=jnp.float32, minval=-bound, maxval=bound)
    b = jax.random.uniform(k4, (2,), dtype=jnp.float32, minval=-bound, maxval=bound)
    return {"node_features_after_gcn": node_features_after_gcn, "edges": edges, "W": W, "b": b}

def reference(node_features_after_gcn, edges, W, b):
    src_features = jnp.take(node_features_after_gcn, edges[0], axis=0)
    dst_features = jnp.take(node_features_after_gcn, edges[1], axis=0)
    edge_features = jnp.concatenate([src_features, dst_features], axis=1)
    classifier_logits = edge_features @ W.T + b
    logits = jax.nn.log_softmax(classifier_logits, axis=1)
    return logits

if __name__ == "__main__":
    import jax
    _d = setup_inputs()
    print(jax.jit(kernel)(*tuple(_d.values())))

</pallas_src>

<mosaic_0001>
#map = affine_map<(d0, d1) -> (0, 0)>
#map1 = affine_map<(d0, d1) -> (0, 0, 0)>
module attributes {stable_mosaic.version = 14 : i64} {
  func.func @sc_kernel(%arg0: i32, %arg1: i32, %arg2: memref<2x10000xf32, #tpu.memory_space<hbm>>, %arg3: memref<2x160000xi32, #tpu.memory_space<hbm>>, %arg4: memref<1250x2x128xf32, #tpu.memory_space<hbm>>, %arg5: memref<2x10000xf32, #tpu.memory_space<vmem>>, %arg6: memref<2x5248xi32, #tpu.memory_space<vmem>>, %arg7: memref<41x2x128xf32, #tpu.memory_space<vmem>>, %arg8: memref<!tpu.dma_semaphore, #tpu.memory_space<semaphore_mem>>, %arg9: memref<!tpu.dma_semaphore, #tpu.memory_space<semaphore_mem>>) attributes {dimension_semantics = [#tpu.dimension_semantics<core_parallel>, #tpu.dimension_semantics<subcore_parallel>], iteration_bounds = array<i64: 2, 16>, scalar_prefetch = 0 : i64, scratch_operands = 5 : i64, tpu.core_type = #tpu.core_type<sc_vector_subcore>, window_params = [{transform_indices = #map}, {transform_indices = #map}, {transform_indices = #map1}]} {
    %mul3A = arith.constant 2 : i32
    %mul3A_0 = arith.muli %arg1, %mul3A : i32
    %add3A = arith.addi %mul3A_0, %arg0 : i32
    %mul3A_1 = arith.constant 4992 : i32
    %mul3A_2 = arith.muli %add3A, %mul3A_1 : i32
    tpu.enqueue_dma source(%arg2 : memref<2x10000xf32, #tpu.memory_space<hbm>>) target(%arg5 : memref<2x10000xf32, #tpu.memory_space<vmem>>) target_semaphore(%arg8 : memref<!tpu.dma_semaphore, #tpu.memory_space<semaphore_mem>>)
    %dma_start3A = arith.constant 0 : i32
    %dma_start3A_3 = tpu.memref_slice %arg3[%dma_start3A, %mul3A_2] : memref<2x160000xi32, #tpu.memory_space<hbm>> -> memref<2x5248xi32, #tpu.memory_space<hbm>>
    %dma_start3A_4 = arith.constant 0 : i32
    %dma_start3A_5 = tpu.memref_slice %arg3[%dma_start3A_4, %mul3A_2] : memref<2x160000xi32, #tpu.memory_space<hbm>> -> memref<2x5248xi32, #tpu.memory_space<hbm>>
    tpu.enqueue_dma source(%dma_start3A_5 : memref<2x5248xi32, #tpu.memory_space<hbm>>) target(%arg6 : memref<2x5248xi32, #tpu.memory_space<vmem>>) target_semaphore(%arg9 : memref<!tpu.dma_semaphore, #tpu.memory_space<semaphore_mem>>)
    tpu.wait_dma2 semaphore(%arg8 : memref<!tpu.dma_semaphore, #tpu.memory_space<semaphore_mem>>) src(%arg2 : memref<2x10000xf32, #tpu.memory_space<hbm>>) dst(%arg5 : memref<2x10000xf32, #tpu.memory_space<vmem>>)
    %dma_wait3A = arith.constant 0 : i32
    %dma_wait3A_6 = tpu.memref_slice %arg3[%dma_wait3A, %mul3A_2] : memref<2x160000xi32, #tpu.memory_space<hbm>> -> memref<2x5248xi32, #tpu.memory_space<hbm>>
    %dma_wait3A_7 = arith.constant 0 : i32
    %dma_wait3A_8 = tpu.memref_slice %arg3[%dma_wait3A_7, %mul3A_2] : memref<2x160000xi32, #tpu.memory_space<hbm>> -> memref<2x5248xi32, #tpu.memory_space<hbm>>
    tpu.wait_dma2 semaphore(%arg9 : memref<!tpu.dma_semaphore, #tpu.memory_space<semaphore_mem>>) src(%dma_wait3A_8 : memref<2x5248xi32, #tpu.memory_space<hbm>>) dst(%arg6 : memref<2x5248xi32, #tpu.memory_space<vmem>>)
    %broadcast_in_dim3A = arith.constant 0 : i32
    %broadcast_in_dim3A_9 = vector.broadcast %broadcast_in_dim3A : i32 to vector<16xi32>
    %add3A_10 = arith.constant 1 : i32
    %add3A_11 = vector.broadcast %add3A_10 : i32 to vector<16xi32>
    %add3A_12 = arith.addi %broadcast_in_dim3A_9, %add3A_11 : vector<16xi32>
    %eq3A = arith.constant 31 : i32
    %eq3A_13 = arith.cmpi eq, %add3A, %eq3A : i32
    %jit3A = arith.constant 41 : i32
    %jit3A_14 = arith.constant 39 : i32
    %select_n3A = arith.select %eq3A_13, %jit3A, %jit3A_14 : i32
    %parallel_loop3A = arith.constant 0 : i32
    %parallel_loop3A_15 = arith.constant 1 : i32
    scf.for %parallel_loop3A_21 = %parallel_loop3A to %select_n3A step %parallel_loop3A_15  : i32 {
      %parallel_loop3A_22 = arith.constant 128 : i32
      %parallel_loop3A_23 = arith.muli %parallel_loop3A_21, %parallel_loop3A_22 : i32
      %parallel_loop3A_24 = arith.constant 0 : i32
      %parallel_loop3A_25 = arith.addi %parallel_loop3A_23, %parallel_loop3A_24 : i32
      %parallel_loop3A_26 = arith.constant 0 : i32
      %parallel_loop3A_27 = arith.index_cast %parallel_loop3A_26 : i32 to index
      %parallel_loop3A_28 = arith.index_cast %parallel_loop3A_25 : i32 to index
      %parallel_loop3A_29 = tpu.vector_load %arg6[%parallel_loop3A_27, %parallel_loop3A_28] {strides = array<i32>} : memref<2x5248xi32, #tpu.memory_space<vmem>>, vector<16xi32>,
      %parallel_loop3A_30 = arith.constant 1 : i32
      %parallel_loop3A_31 = arith.index_cast %parallel_loop3A_30 : i32 to index
      %parallel_loop3A_32 = arith.index_cast %parallel_loop3A_25 : i32 to index
      %parallel_loop3A_33 = tpu.vector_load %arg6[%parallel_loop3A_31, %parallel_loop3A_32] {strides = array<i32>} : memref<2x5248xi32, #tpu.memory_space<vmem>>, vector<16xi32>,
      %parallel_loop3A_34 = tpu.vector_load_idx %arg5[%broadcast_in_dim3A_9, %parallel_loop3A_29] : memref<2x10000xf32, #tpu.memory_space<vmem>>[vector<16xi32>, vector<16xi32>], vector<16xf32>,
      %parallel_loop3A_35 = tpu.vector_load_idx %arg5[%add3A_12, %parallel_loop3A_33] : memref<2x10000xf32, #tpu.memory_space<vmem>>[vector<16xi32>, vector<16xi32>], vector<16xf32>,
      %parallel_loop3A_36 = arith.addf %parallel_loop3A_34, %parallel_loop3A_35 : vector<16xf32>
      %parallel_loop3A_37 = math.absf %parallel_loop3A_36 : vector<16xf32>
      %parallel_loop3A_38 = arith.constant 0.000000e+00 : f32
      %parallel_loop3A_39 = vector.broadcast %parallel_loop3A_38 : f32 to vector<16xf32>
      %parallel_loop3A_40 = arith.subf %parallel_loop3A_39, %parallel_loop3A_37 : vector<16xf32>
      %parallel_loop3A_41 = math.exp %parallel_loop3A_40 : vector<16xf32>
      %parallel_loop3A_42 = arith.constant 0.114664972 : f32
      %parallel_loop3A_43 = vector.broadcast %parallel_loop3A_42 : f32 to vector<16xf32>
      %parallel_loop3A_44 = arith.mulf %parallel_loop3A_43, %parallel_loop3A_41 : vector<16xf32>
      %parallel_loop3A_45 = arith.constant -0.408439934 : f32
      %parallel_loop3A_46 = vector.broadcast %parallel_loop3A_45 : f32 to vector<16xf32>
      %parallel_loop3A_47 = arith.addf %parallel_loop3A_44, %parallel_loop3A_46 : vector<16xf32>
      %parallel_loop3A_48 = arith.mulf %parallel_loop3A_47, %parallel_loop3A_41 : vector<16xf32>
      %parallel_loop3A_49 = arith.constant 0.987460732 : f32
      %parallel_loop3A_50 = vector.broadcast %parallel_loop3A_49 : f32 to vector<16xf32>
      %parallel_loop3A_51 = arith.addf %parallel_loop3A_48, %parallel_loop3A_50 : vector<16xf32>
      %parallel_loop3A_52 = arith.constant 0.000000e+00 : f32
      %parallel_loop3A_53 = vector.broadcast %parallel_loop3A_52 : f32 to vector<16xf32>
      %parallel_loop3A_54 = arith.maximumf %parallel_loop3A_36, %parallel_loop3A_53 : vector<16xf32>
      %parallel_loop3A_55 = arith.mulf %parallel_loop3A_51, %parallel_loop3A_41 : vector<16xf32>
      %parallel_loop3A_56 = arith.addf %parallel_loop3A_54, %parallel_loop3A_55 : vector<16xf32>
      %parallel_loop3A_57 = arith.constant 0.000000e+00 : f32
      %parallel_loop3A_58 = vector.broadcast %parallel_loop3A_57 : f32 to vector<16xf32>
      %parallel_loop3A_59 = arith.subf %parallel_loop3A_58, %parallel_loop3A_56 : vector<16xf32>
      %parallel_loop3A_60 = arith.constant 0 : i32
      %parallel_loop3A_61 = arith.index_cast %parallel_loop3A_21 : i32 to index
      %parallel_loop3A_62 = arith.index_cast %parallel_loop3A_60 : i32 to index
      %parallel_loop3A_63 = arith.constant 0 : index
      %parallel_loop3A_64 = tpu.vector_load %arg7[%parallel_loop3A_61, %parallel_loop3A_62, %parallel_loop3A_63] {strides = array<i32>} : memref<41x2x128xf32, #tpu.memory_space<vmem>>, vector<16xf32>,
      tpu.vector_store %arg7[%parallel_loop3A_61, %parallel_loop3A_62, %parallel_loop3A_63], %parallel_loop3A_59 {strides = array<i32>} : memref<41x2x128xf32, #tpu.memory_space<vmem>>, vector<16xf32>,
      %parallel_loop3A_65 = arith.subf %parallel_loop3A_36, %parallel_loop3A_56 : vector<16xf32>
      %parallel_loop3A_66 = arith.constant 1 : i32
      %parallel_loop3A_67 = arith.index_cast %parallel_loop3A_21 : i32 to index
      %parallel_loop3A_68 = arith.index_cast %parallel_loop3A_66 : i32 to index
      %parallel_loop3A_69 = arith.constant 0 : index
      %parallel_loop3A_70 = tpu.vector_load %arg7[%parallel_loop3A_67, %parallel_loop3A_68, %parallel_loop3A_69] {strides = array<i32>} : memref<41x2x128xf32, #tpu.memory_space<vmem>>, vector<16xf32>,
      tpu.vector_store %arg7[%parallel_loop3A_67, %parallel_loop3A_68, %parallel_loop3A_69], %parallel_loop3A_65 {strides = array<i32>} : memref<41x2x128xf32, #tpu.memory_space<vmem>>, vector<16xf32>,
      %parallel_loop3A_71 = arith.constant 128 : i32
      %parallel_loop3A_72 = arith.muli %parallel_loop3A_21, %parallel_loop3A_71 : i32
      %parallel_loop3A_73 = arith.constant 16 : i32
      %parallel_loop3A_74 = arith.addi %parallel_loop3A_72, %parallel_loop3A_73 : i32
      %parallel_loop3A_75 = arith.constant 0 : i32
      %parallel_loop3A_76 = arith.index_cast %parallel_loop3A_75 : i32 to index
      %parallel_loop3A_77 = arith.index_cast %parallel_loop3A_74 : i32 to index
      %parallel_loop3A_78 = tpu.vector_load %arg6[%parallel_loop3A_76, %parallel_loop3A_77] {strides = array<i32>} : memref<2x5248xi32, #tpu.memory_space<vmem>>, vector<16xi32>,
      %parallel_loop3A_79 = arith.constant 1 : i32
      %parallel_loop3A_80 = arith.index_cast %parallel_loop3A_79 : i32 to index
      %parallel_loop3A_81 = arith.index_cast %parallel_loop3A_74 : i32 to index
      %parallel_loop3A_82 = tpu.vector_load %arg6[%parallel_loop3A_80, %parallel_loop3A_81] {strides = array<i32>} : memref<2x5248xi32, #tpu.memory_space<vmem>>, vector<16xi32>,
      %parallel_loop3A_83 = tpu.vector_load_idx %arg5[%broadcast_in_dim3A_9, %parallel_loop3A_78] : memref<2x10000xf32, #tpu.memory_space<vmem>>[vector<16xi32>, vector<16xi32>], vector<16xf32>,
      %parallel_loop3A_84 = tpu.vector_load_idx %arg5[%add3A_12, %parallel_loop3A_82] : memref<2x10000xf32, #tpu.memory_space<vmem>>[vector<16xi32>, vector<16xi32>], vector<16xf32>,
      %parallel_loop3A_85 = arith.addf %parallel_loop3A_83, %parallel_loop3A_84 : vector<16xf32>
      %parallel_loop3A_86 = math.absf %parallel_loop3A_85 : vector<16xf32>
      %parallel_loop3A_87 = arith.constant 0.000000e+00 : f32
      %parallel_loop3A_88 = vector.broadcast %parallel_loop3A_87 : f32 to vector<16xf32>
      %parallel_loop3A_89 = arith.subf %parallel_loop3A_88, %parallel_loop3A_86 : vector<16xf32>
      %parallel_loop3A_90 = math.exp %parallel_loop3A_89 : vector<16xf32>
      %parallel_loop3A_91 = arith.constant 0.114664972 : f32
      %parallel_loop3A_92 = vector.broadcast %parallel_loop3A_91 : f32 to vector<16xf32>
      %parallel_loop3A_93 = arith.mulf %parallel_loop3A_92, %parallel_loop3A_90 : vector<16xf32>
      %parallel_loop3A_94 = arith.constant -0.408439934 : f32
      %parallel_loop3A_95 = vector.broadcast %parallel_loop3A_94 : f32 to vector<16xf32>
      %parallel_loop3A_96 = arith.addf %parallel_loop3A_93, %parallel_loop3A_95 : vector<16xf32>
      %parallel_loop3A_97 = arith.mulf %parallel_loop3A_96, %parallel_loop3A_90 : vector<16xf32>
      %parallel_loop3A_98 = arith.constant 0.987460732 : f32
      %parallel_loop3A_99 = vector.broadcast %parallel_loop3A_98 : f32 to vector<16xf32>
      %parallel_loop3A_100 = arith.addf %parallel_loop3A_97, %parallel_loop3A_99 : vector<16xf32>
      %parallel_loop3A_101 = arith.constant 0.000000e+00 : f32
      %parallel_loop3A_102 = vector.broadcast %parallel_loop3A_101 : f32 to vector<16xf32>
      %parallel_loop3A_103 = arith.maximumf %parallel_loop3A_85, %parallel_loop3A_102 : vector<16xf32>
      %parallel_loop3A_104 = arith.mulf %parallel_loop3A_100, %parallel_loop3A_90 : vector<16xf32>
      %parallel_loop3A_105 = arith.addf %parallel_loop3A_103, %parallel_loop3A_104 : vector<16xf32>
      %parallel_loop3A_106 = arith.constant 0.000000e+00 : f32
      %parallel_loop3A_107 = vector.broadcast %parallel_loop3A_106 : f32 to vector<16xf32>
      %parallel_loop3A_108 = arith.subf %parallel_loop3A_107, %parallel_loop3A_105 : vector<16xf32>
      %parallel_loop3A_109 = arith.constant 0 : i32
      %parallel_loop3A_110 = arith.index_cast %parallel_loop3A_21 : i32 to index
      %parallel_loop3A_111 = arith.index_cast %parallel_loop3A_109 : i32 to index
      %parallel_loop3A_112 = arith.constant 16 : index
      %parallel_loop3A_113 = tpu.vector_load %arg7[%parallel_loop3A_110, %parallel_loop3A_111, %parallel_loop3A_112] {strides = array<i32>} : memref<41x2x128xf32, #tpu.memory_space<vmem>>, vector<16xf32>,
      tpu.vector_store %arg7[%parallel_loop3A_110, %parallel_loop3A_111, %parallel_loop3A_112], %parallel_loop3A_108 {strides = array<i32>} : memref<41x2x128xf32, #tpu.memory_space<vmem>>, vector<16xf32>,
      %parallel_loop3A_114 = arith.subf %parallel_loop3A_85, %parallel_loop3A_105 : vector<16xf32>
      %parallel_loop3A_115 = arith.constant 1 : i32
      %parallel_loop3A_116 = arith.index_cast %parallel_loop3A_21 : i32 to index
      %parallel_loop3A_117 = arith.index_cast %parallel_loop3A_115 : i32 to index
      %parallel_loop3A_118 = arith.constant 16 : index
      %parallel_loop3A_119 = tpu.vector_load %arg7[%parallel_loop3A_116, %parallel_loop3A_117, %parallel_loop3A_118] {strides = array<i32>} : memref<41x2x128xf32, #tpu.memory_space<vmem>>, vector<16xf32>,
      tpu.vector_store %arg7[%parallel_loop3A_116, %parallel_loop3A_117, %parallel_loop3A_118], %parallel_loop3A_114 {strides = array<i32>} : memref<41x2x128xf32, #tpu.memory_space<vmem>>, vector<16xf32>,
      %parallel_loop3A_120 = arith.constant 128 : i32
      %parallel_loop3A_121 = arith.muli %parallel_loop3A_21, %parallel_loop3A_120 : i32
      %parallel_loop3A_122 = arith.constant 32 : i32
      %parallel_loop3A_123 = arith.addi %parallel_loop3A_121, %parallel_loop3A_122 : i32
      %parallel_loop3A_124 = arith.constant 0 : i32
      %parallel_loop3A_125 = arith.index_cast %parallel_loop3A_124 : i32 to index
      %parallel_loop3A_126 = arith.index_cast %parallel_loop3A_123 : i32 to index
      %parallel_loop3A_127 = tpu.vector_load %arg6[%parallel_loop3A_125, %parallel_loop3A_126] {strides = array<i32>} : memref<2x5248xi32, #tpu.memory_space<vmem>>, vector<16xi32>,
      %parallel_loop3A_128 = arith.constant 1 : i32
      %parallel_loop3A_129 = arith.index_cast %parallel_loop3A_128 : i32 to index
      %parallel_loop3A_130 = arith.index_cast %parallel_loop3A_123 : i32 to index
      %parallel_loop3A_131 = tpu.vector_load %arg6[%parallel_loop3A_129, %parallel_loop3A_130] {strides = array<i32>} : memref<2x5248xi32, #tpu.memory_space<vmem>>, vector<16xi32>,
      %parallel_loop3A_132 = tpu.vector_load_idx %arg5[%broadcast_in_dim3A_9, %parallel_loop3A_127] : memref<2x10000xf32, #tpu.memory_space<vmem>>[vector<16xi32>, vector<16xi32>], vector<16xf32>,
      %parallel_loop3A_133 = tpu.vector_load_idx %arg5[%add3A_12, %parallel_loop3A_131] : memref<2x10000xf32, #tpu.memory_space<vmem>>[vector<16xi32>, vector<16xi32>], vector<16xf32>,
      %parallel_loop3A_134 = arith.addf %parallel_loop3A_132, %parallel_loop3A_133 : vector<16xf32>
      %parallel_loop3A_135 = math.absf %parallel_loop3A_134 : vector<16xf32>
      %parallel_loop3A_136 = arith.constant 0.000000e+00 : f32
      %parallel_loop3A_137 = vector.broadcast %parallel_loop3A_136 : f32 to vector<16xf32>
      %parallel_loop3A_138 = arith.subf %parallel_loop3A_137, %parallel_loop3A_135 : vector<16xf32>
      %parallel_loop3A_139 = math.exp %parallel_loop3A_138 : vector<16xf32>
      %parallel_loop3A_140 = arith.constant 0.114664972 : f32
      %parallel_loop3A_141 = vector.broadcast %parallel_loop3A_140 : f32 to vector<16xf32>
      %parallel_loop3A_142 = arith.mulf %parallel_loop3A_141, %parallel_loop3A_139 : vector<16xf32>
      %parallel_loop3A_143 = arith.constant -0.408439934 : f32
      %parallel_loop3A_144 = vector.broadcast %parallel_loop3A_143 : f32 to vector<16xf32>
      %parallel_loop3A_145 = arith.addf %parallel_loop3A_142, %parallel_loop3A_144 : vector<16xf32>
      %parallel_loop3A_146 = arith.mulf %parallel_loop3A_145, %parallel_loop3A_139 : vector<16xf32>
      %parallel_loop3A_147 = arith.constant 0.987460732 : f32
      %parallel_loop3A_148 = vector.broadcast %parallel_loop3A_147 : f32 to vector<16xf32>
      %parallel_loop3A_149 = arith.addf %parallel_loop3A_146, %parallel_loop3A_148 : vector<16xf32>
      %parallel_loop3A_150 = arith.constant 0.000000e+00 : f32
      %parallel_loop3A_151 = vector.broadcast %parallel_loop3A_150 : f32 to vector<16xf32>
      %parallel_loop3A_152 = arith.maximumf %parallel_loop3A_134, %parallel_loop3A_151 : vector<16xf32>
      %parallel_loop3A_153 = arith.mulf %parallel_loop3A_149, %parallel_loop3A_139 : vector<16xf32>
      %parallel_loop3A_154 = arith.addf %parallel_loop3A_152, %parallel_loop3A_153 : vector<16xf32>
      %parallel_loop3A_155 = arith.constant 0.000000e+00 : f32
      %parallel_loop3A_156 = vector.broadcast %parallel_loop3A_155 : f32 to vector<16xf32>
      %parallel_loop3A_157 = arith.subf %parallel_loop3A_156, %parallel_loop3A_154 : vector<16xf32>
      %parallel_loop3A_158 = arith.constant 0 : i32
      %parallel_loop3A_159 = arith.index_cast %parallel_loop3A_21 : i32 to index
      %parallel_loop3A_160 = arith.index_cast %parallel_loop3A_158 : i32 to index
      %parallel_loop3A_161 = arith.constant 32 : index
      %parallel_loop3A_162 = tpu.vector_load %arg7[%parallel_loop3A_159, %parallel_loop3A_160, %parallel_loop3A_161] {strides = array<i32>} : memref<41x2x128xf32, #tpu.memory_space<vmem>>, vector<16xf32>,
      tpu.vector_store %arg7[%parallel_loop3A_159, %parallel_loop3A_160, %parallel_loop3A_161], %parallel_loop3A_157 {strides = array<i32>} : memref<41x2x128xf32, #tpu.memory_space<vmem>>, vector<16xf32>,
      %parallel_loop3A_163 = arith.subf %parallel_loop3A_134, %parallel_loop3A_154 : vector<16xf32>
      %parallel_loop3A_164 = arith.constant 1 : i32
      %parallel_loop3A_165 = arith.index_cast %parallel_loop3A_21 : i32 to index
      %parallel_loop3A_166 = arith.index_cast %parallel_loop3A_164 : i32 to index
      %parallel_loop3A_167 = arith.constant 32 : index
      %parallel_loop3A_168 = tpu.vector_load %arg7[%parallel_loop3A_165, %parallel_loop3A_166, %parallel_loop3A_167] {strides = array<i32>} : memref<41x2x128xf32, #tpu.memory_space<vmem>>, vector<16xf32>,
      tpu.vector_store %arg7[%parallel_loop3A_165, %parallel_loop3A_166, %parallel_loop3A_167], %parallel_loop3A_163 {strides = array<i32>} : memref<41x2x128xf32, #tpu.memory_space<vmem>>, vector<16xf32>,
      %parallel_loop3A_169 = arith.constant 128 : i32
      %parallel_loop3A_170 = arith.muli %parallel_loop3A_21, %parallel_loop3A_169 : i32
      %parallel_loop3A_171 = arith.constant 48 : i32
      %parallel_loop3A_172 = arith.addi %parallel_loop3A_170, %parallel_loop3A_171 : i32
      %parallel_loop3A_173 = arith.constant 0 : i32
      %parallel_loop3A_174 = arith.index_cast %parallel_loop3A_173 : i32 to index
      %parallel_loop3A_175 = arith.index_cast %parallel_loop3A_172 : i32 to index
      %parallel_loop3A_176 = tpu.vector_load %arg6[%parallel_loop3A_174, %parallel_loop3A_175] {strides = array<i32>} : memref<2x5248xi32, #tpu.memory_space<vmem>>, vector<16xi32>,
      %parallel_loop3A_177 = arith.constant 1 : i32
      %parallel_loop3A_178 = arith.index_cast %parallel_loop3A_177 : i32 to index
      %parallel_loop3A_179 = arith.index_cast %parallel_loop3A_172 : i32 to index
      %parallel_loop3A_180 = tpu.vector_load %arg6[%parallel_loop3A_178, %parallel_loop3A_179] {strides = array<i32>} : memref<2x5248xi32, #tpu.memory_space<vmem>>, vector<16xi32>,
      %parallel_loop3A_181 = tpu.vector_load_idx %arg5[%broadcast_in_dim3A_9, %parallel_loop3A_176] : memref<2x10000xf32, #tpu.memory_space<vmem>>[vector<16xi32>, vector<16xi32>], vector<16xf32>,
      %parallel_loop3A_182 = tpu.vector_load_idx %arg5[%add3A_12, %parallel_loop3A_180] : memref<2x10000xf32, #tpu.memory_space<vmem>>[vector<16xi32>, vector<16xi32>], vector<16xf32>,
      %parallel_loop3A_183 = arith.addf %parallel_loop3A_181, %parallel_loop3A_182 : vector<16xf32>
      %parallel_loop3A_184 = math.absf %parallel_loop3A_183 : vector<16xf32>
      %parallel_loop3A_185 = arith.constant 0.000000e+00 : f32
      %parallel_loop3A_186 = vector.broadcast %parallel_loop3A_185 : f32 to vector<16xf32>
      %parallel_loop3A_187 = arith.subf %parallel_loop3A_186, %parallel_loop3A_184 : vector<16xf32>
      %parallel_loop3A_188 = math.exp %parallel_loop3A_187 : vector<16xf32>
      %parallel_loop3A_189 = arith.constant 0.114664972 : f32
      %parallel_loop3A_190 = vector.broadcast %parallel_loop3A_189 : f32 to vector<16xf32>
      %parallel_loop3A_191 = arith.mulf %parallel_loop3A_190, %parallel_loop3A_188 : vector<16xf32>
      %parallel_loop3A_192 = arith.constant -0.408439934 : f32
      %parallel_loop3A_193 = vector.broadcast %parallel_loop3A_192 : f32 to vector<16xf32>
      %parallel_loop3A_194 = arith.addf %parallel_loop3A_191, %parallel_loop3A_193 : vector<16xf32>
      %parallel_loop3A_195 = arith.mulf %parallel_loop3A_194, %parallel_loop3A_188 : vector<16xf32>
      %parallel_loop3A_196 = arith.constant 0.987460732 : f32
      %parallel_loop3A_197 = vector.broadcast %parallel_loop3A_196 : f32 to vector<16xf32>
      %parallel_loop3A_198 = arith.addf %parallel_loop3A_195, %parallel_loop3A_197 : vector<16xf32>
      %parallel_loop3A_199 = arith.constant 0.000000e+00 : f32
      %parallel_loop3A_200 = vector.broadcast %parallel_loop3A_199 : f32 to vector<16xf32>
      %parallel_loop3A_201 = arith.maximumf %parallel_loop3A_183, %parallel_loop3A_200 : vector<16xf32>
      %parallel_loop3A_202 = arith.mulf %parallel_loop3A_198, %parallel_loop3A_188 : vector<16xf32>
      %parallel_loop3A_203 = arith.addf %parallel_loop3A_201, %parallel_loop3A_202 : vector<16xf32>
      %parallel_loop3A_204 = arith.constant 0.000000e+00 : f32
      %parallel_loop3A_205 = vector.broadcast %parallel_loop3A_204 : f32 to vector<16xf32>
      %parallel_loop3A_206 = arith.subf %parallel_loop3A_205, %parallel_loop3A_203 : vector<16xf32>
      %parallel_loop3A_207 = arith.constant 0 : i32
      %parallel_loop3A_208 = arith.index_cast %parallel_loop3A_21 : i32 to index
      %parallel_loop3A_209 = arith.index_cast %parallel_loop3A_207 : i32 to index
      %parallel_loop3A_210 = arith.constant 48 : index
      %parallel_loop3A_211 = tpu.vector_load %arg7[%parallel_loop3A_208, %parallel_loop3A_209, %parallel_loop3A_210] {strides = array<i32>} : memref<41x2x128xf32, #tpu.memory_space<vmem>>, vector<16xf32>,
      tpu.vector_store %arg7[%parallel_loop3A_208, %parallel_loop3A_209, %parallel_loop3A_210], %parallel_loop3A_206 {strides = array<i32>} : memref<41x2x128xf32, #tpu.memory_space<vmem>>, vector<16xf32>,
      %parallel_loop3A_212 = arith.subf %parallel_loop3A_183, %parallel_loop3A_203 : vector<16xf32>
      %parallel_loop3A_213 = arith.constant 1 : i32
      %parallel_loop3A_214 = arith.index_cast %parallel_loop3A_21 : i32 to index
      %parallel_loop3A_215 = arith.index_cast %parallel_loop3A_213 : i32 to index
      %parallel_loop3A_216 = arith.constant 48 : index
      %parallel_loop3A_217 = tpu.vector_load %arg7[%parallel_loop3A_214, %parallel_loop3A_215, %parallel_loop3A_216] {strides = array<i32>} : memref<41x2x128xf32, #tpu.memory_space<vmem>>, vector<16xf32>,
      tpu.vector_store %arg7[%parallel_loop3A_214, %parallel_loop3A_215, %parallel_loop3A_216], %parallel_loop3A_212 {strides = array<i32>} : memref<41x2x128xf32, #tpu.memory_space<vmem>>, vector<16xf32>,
      %parallel_loop3A_218 = arith.constant 128 : i32
      %parallel_loop3A_219 = arith.muli %parallel_loop3A_21, %parallel_loop3A_218 : i32
      %parallel_loop3A_220 = arith.constant 64 : i32
      %parallel_loop3A_221 = arith.addi %parallel_loop3A_219, %parallel_loop3A_220 : i32
      %parallel_loop3A_222 = arith.constant 0 : i32
      %parallel_loop3A_223 = arith.index_cast %parallel_loop3A_222 : i32 to index
      %parallel_loop3A_224 = arith.index_cast %parallel_loop3A_221 : i32 to index
      %parallel_loop3A_225 = tpu.vector_load %arg6[%parallel_loop3A_223, %parallel_loop3A_224] {strides = array<i32>} : memref<2x5248xi32, #tpu.memory_space<vmem>>, vector<16xi32>,
      %parallel_loop3A_226 = arith.constant 1 : i32
      %parallel_loop3A_227 = arith.index_cast %parallel_loop3A_226 : i32 to index
      %parallel_loop3A_228 = arith.index_cast %parallel_loop3A_221 : i32 to index
      %parallel_loop3A_229 = tpu.vector_load %arg6[%parallel_loop3A_227, %parallel_loop3A_228] {strides = array<i32>} : memref<2x5248xi32, #tpu.memory_space<vmem>>, vector<16xi32>,
      %parallel_loop3A_230 = tpu.vector_load_idx %arg5[%broadcast_in_dim3A_9, %parallel_loop3A_225] : memref<2x10000xf32, #tpu.memory_space<vmem>>[vector<16xi32>, vector<16xi32>], vector<16xf32>,
      %parallel_loop3A_231 = tpu.vector_load_idx %arg5[%add3A_12, %parallel_loop3A_229] : memref<2x10000xf32, #tpu.memory_space<vmem>>[vector<16xi32>, vector<16xi32>], vector<16xf32>,
      %parallel_loop3A_232 = arith.addf %parallel_loop3A_230, %parallel_loop3A_231 : vector<16xf32>
      %parallel_loop3A_233 = math.absf %parallel_loop3A_232 : vector<16xf32>
      %parallel_loop3A_234 = arith.constant 0.000000e+00 : f32
      %parallel_loop3A_235 = vector.broadcast %parallel_loop3A_234 : f32 to vector<16xf32>
      %parallel_loop3A_236 = arith.subf %parallel_loop3A_235, %parallel_loop3A_233 : vector<16xf32>
      %parallel_loop3A_237 = math.exp %parallel_loop3A_236 : vector<16xf32>
      %parallel_loop3A_238 = arith.constant 0.114664972 : f32
      %parallel_loop3A_239 = vector.broadcast %parallel_loop3A_238 : f32 to vector<16xf32>
      %parallel_loop3A_240 = arith.mulf %parallel_loop3A_239, %parallel_loop3A_237 : vector<16xf32>
      %parallel_loop3A_241 = arith.constant -0.408439934 : f32
      %parallel_loop3A_242 = vector.broadcast %parallel_loop3A_241 : f32 to vector<16xf32>
      %parallel_loop3A_243 = arith.addf %parallel_loop3A_240, %parallel_loop3A_242 : vector<16xf32>
      %parallel_loop3A_244 = arith.mulf %parallel_loop3A_243, %parallel_loop3A_237 : vector<16xf32>
      %parallel_loop3A_245 = arith.constant 0.987460732 : f32
      %parallel_loop3A_246 = vector.broadcast %parallel_loop3A_245 : f32 to vector<16xf32>
      %parallel_loop3A_247 = arith.addf %parallel_loop3A_244, %parallel_loop3A_246 : vector<16xf32>
      %parallel_loop3A_248 = arith.constant 0.000000e+00 : f32
      %parallel_loop3A_249 = vector.broadcast %parallel_loop3A_248 : f32 to vector<16xf32>
      %parallel_loop3A_250 = arith.maximumf %parallel_loop3A_232, %parallel_loop3A_249 : vector<16xf32>
      %parallel_loop3A_251 = arith.mulf %parallel_loop3A_247, %parallel_loop3A_237 : vector<16xf32>
      %parallel_loop3A_252 = arith.addf %parallel_loop3A_250, %parallel_loop3A_251 : vector<16xf32>
      %parallel_loop3A_253 = arith.constant 0.000000e+00 : f32
      %parallel_loop3A_254 = vector.broadcast %parallel_loop3A_253 : f32 to vector<16xf32>
      %parallel_loop3A_255 = arith.subf %parallel_loop3A_254, %parallel_loop3A_252 : vector<16xf32>
      %parallel_loop3A_256 = arith.constant 0 : i32
      %parallel_loop3A_257 = arith.index_cast %parallel_loop3A_21 : i32 to index
      %parallel_loop3A_258 = arith.index_cast %parallel_loop3A_256 : i32 to index
      %parallel_loop3A_259 = arith.constant 64 : index
      %parallel_loop3A_260 = tpu.vector_load %arg7[%parallel_loop3A_257, %parallel_loop3A_258, %parallel_loop3A_259] {strides = array<i32>} : memref<41x2x128xf32, #tpu.memory_space<vmem>>, vector<16xf32>,
      tpu.vector_store %arg7[%parallel_loop3A_257, %parallel_loop3A_258, %parallel_loop3A_259], %parallel_loop3A_255 {strides = array<i32>} : memref<41x2x128xf32, #tpu.memory_space<vmem>>, vector<16xf32>,
      %parallel_loop3A_261 = arith.subf %parallel_loop3A_232, %parallel_loop3A_252 : vector<16xf32>
      %parallel_loop3A_262 = arith.constant 1 : i32
      %parallel_loop3A_263 = arith.index_cast %parallel_loop3A_21 : i32 to index
      %parallel_loop3A_264 = arith.index_cast %parallel_loop3A_262 : i32 to index
      %parallel_loop3A_265 = arith.constant 64 : index
      %parallel_loop3A_266 = tpu.vector_load %arg7[%parallel_loop3A_263, %parallel_loop3A_264, %parallel_loop3A_265] {strides = array<i32>} : memref<41x2x128xf32, #tpu.memory_space<vmem>>, vector<16xf32>,
      tpu.vector_store %arg7[%parallel_loop3A_263, %parallel_loop3A_264, %parallel_loop3A_265], %parallel_loop3A_261 {strides = array<i32>} : memref<41x2x128xf32, #tpu.memory_space<vmem>>, vector<16xf32>,
      %parallel_loop3A_267 = arith.constant 128 : i32
      %parallel_loop3A_268 = arith.muli %parallel_loop3A_21, %parallel_loop3A_267 : i32
      %parallel_loop3A_269 = arith.constant 80 : i32
      %parallel_loop3A_270 = arith.addi %parallel_loop3A_268, %parallel_loop3A_269 : i32
      %parallel_loop3A_271 = arith.constant 0 : i32
      %parallel_loop3A_272 = arith.index_cast %parallel_loop3A_271 : i32 to index
      %parallel_loop3A_273 = arith.index_cast %parallel_loop3A_270 : i32 to index
      %parallel_loop3A_274 = tpu.vector_load %arg6[%parallel_loop3A_272, %parallel_loop3A_273] {strides = array<i32>} : memref<2x5248xi32, #tpu.memory_space<vmem>>, vector<16xi32>,
      %parallel_loop3A_275 = arith.constant 1 : i32
      %parallel_loop3A_276 = arith.index_cast %parallel_loop3A_275 : i32 to index
      %parallel_loop3A_277 = arith.index_cast %parallel_loop3A_270 : i32 to index
      %parallel_loop3A_278 = tpu.vector_load %arg6[%parallel_loop3A_276, %parallel_loop3A_277] {strides = array<i32>} : memref<2x5248xi32, #tpu.memory_space<vmem>>, vector<16xi32>,
      %parallel_loop3A_279 = tpu.vector_load_idx %arg5[%broadcast_in_dim3A_9, %parallel_loop3A_274] : memref<2x10000xf32, #tpu.memory_space<vmem>>[vector<16xi32>, vector<16xi32>], vector<16xf32>,
      %parallel_loop3A_280 = tpu.vector_load_idx %arg5[%add3A_12, %parallel_loop3A_278] : memref<2x10000xf32, #tpu.memory_space<vmem>>[vector<16xi32>, vector<16xi32>], vector<16xf32>,
      %parallel_loop3A_281 = arith.addf %parallel_loop3A_279, %parallel_loop3A_280 : vector<16xf32>
      %parallel_loop3A_282 = math.absf %parallel_loop3A_281 : vector<16xf32>
      %parallel_loop3A_283 = arith.constant 0.000000e+00 : f32
      %parallel_loop3A_284 = vector.broadcast %parallel_loop3A_283 : f32 to vector<16xf32>
      %parallel_loop3A_285 = arith.subf %parallel_loop3A_284, %parallel_loop3A_282 : vector<16xf32>
      %parallel_loop3A_286 = math.exp %parallel_loop3A_285 : vector<16xf32>
      %parallel_loop3A_287 = arith.constant 0.114664972 : f32
      %parallel_loop3A_288 = vector.broadcast %parallel_loop3A_287 : f32 to vector<16xf32>
      %parallel_loop3A_289 = arith.mulf %parallel_loop3A_288, %parallel_loop3A_286 : vector<16xf32>
      %parallel_loop3A_290 = arith.constant -0.408439934 : f32
      %parallel_loop3A_291 = vector.broadcast %parallel_loop3A_290 : f32 to vector<16xf32>
      %parallel_loop3A_292 = arith.addf %parallel_loop3A_289, %parallel_loop3A_291 : vector<16xf32>
      %parallel_loop3A_293 = arith.mulf %parallel_loop3A_292, %parallel_loop3A_286 : vector<16xf32>
      %parallel_loop3A_294 = arith.constant 0.987460732 : f32
      %parallel_loop3A_295 = vector.broadcast %parallel_loop3A_294 : f32 to vector<16xf32>
      %parallel_loop3A_296 = arith.addf %parallel_loop3A_293, %parallel_loop3A_295 : vector<16xf32>
      %parallel_loop3A_297 = arith.constant 0.000000e+00 : f32
      %parallel_loop3A_298 = vector.broadcast %parallel_loop3A_297 : f32 to vector<16xf32>
      %parallel_loop3A_299 = arith.maximumf %parallel_loop3A_281, %parallel_loop3A_298 : vector<16xf32>
      %parallel_loop3A_300 = arith.mulf %parallel_loop3A_296, %parallel_loop3A_286 : vector<16xf32>
      %parallel_loop3A_301 = arith.addf %parallel_loop3A_299, %parallel_loop3A_300 : vector<16xf32>
      %parallel_loop3A_302 = arith.constant 0.000000e+00 : f32
      %parallel_loop3A_303 = vector.broadcast %parallel_loop3A_302 : f32 to vector<16xf32>
      %parallel_loop3A_304 = arith.subf %parallel_loop3A_303, %parallel_loop3A_301 : vector<16xf32>
      %parallel_loop3A_305 = arith.constant 0 : i32
      %parallel_loop3A_306 = arith.index_cast %parallel_loop3A_21 : i32 to index
      %parallel_loop3A_307 = arith.index_cast %parallel_loop3A_305 : i32 to index
      %parallel_loop3A_308 = arith.constant 80 : index
      %parallel_loop3A_309 = tpu.vector_load %arg7[%parallel_loop3A_306, %parallel_loop3A_307, %parallel_loop3A_308] {strides = array<i32>} : memref<41x2x128xf32, #tpu.memory_space<vmem>>, vector<16xf32>,
      tpu.vector_store %arg7[%parallel_loop3A_306, %parallel_loop3A_307, %parallel_loop3A_308], %parallel_loop3A_304 {strides = array<i32>} : memref<41x2x128xf32, #tpu.memory_space<vmem>>, vector<16xf32>,
      %parallel_loop3A_310 = arith.subf %parallel_loop3A_281, %parallel_loop3A_301 : vector<16xf32>
      %parallel_loop3A_311 = arith.constant 1 : i32
      %parallel_loop3A_312 = arith.index_cast %parallel_loop3A_21 : i32 to index
      %parallel_loop3A_313 = arith.index_cast %parallel_loop3A_311 : i32 to index
      %parallel_loop3A_314 = arith.constant 80 : index
      %parallel_loop3A_315 = tpu.vector_load %arg7[%parallel_loop3A_312, %parallel_loop3A_313, %parallel_loop3A_314] {strides = array<i32>} : memref<41x2x128xf32, #tpu.memory_space<vmem>>, vector<16xf32>,
      tpu.vector_store %arg7[%parallel_loop3A_312, %parallel_loop3A_313, %parallel_loop3A_314], %parallel_loop3A_310 {strides = array<i32>} : memref<41x2x128xf32, #tpu.memory_space<vmem>>, vector<16xf32>,
      %parallel_loop3A_316 = arith.constant 128 : i32
      %parallel_loop3A_317 = arith.muli %parallel_loop3A_21, %parallel_loop3A_316 : i32
      %parallel_loop3A_318 = arith.constant 96 : i32
      %parallel_loop3A_319 = arith.addi %parallel_loop3A_317, %parallel_loop3A_318 : i32
      %parallel_loop3A_320 = arith.constant 0 : i32
      %parallel_loop3A_321 = arith.index_cast %parallel_loop3A_320 : i32 to index
      %parallel_loop3A_322 = arith.index_cast %parallel_loop3A_319 : i32 to index
      %parallel_loop3A_323 = tpu.vector_load %arg6[%parallel_loop3A_321, %parallel_loop3A_322] {strides = array<i32>} : memref<2x5248xi32, #tpu.memory_space<vmem>>, vector<16xi32>,
      %parallel_loop3A_324 = arith.constant 1 : i32
      %parallel_loop3A_325 = arith.index_cast %parallel_loop3A_324 : i32 to index
      %parallel_loop3A_326 = arith.index_cast %parallel_loop3A_319 : i32 to index
      %parallel_loop3A_327 = tpu.vector_load %arg6[%parallel_loop3A_325, %parallel_loop3A_326] {strides = array<i32>} : memref<2x5248xi32, #tpu.memory_space<vmem>>, vector<16xi32>,
      %parallel_loop3A_328 = tpu.vector_load_idx %arg5[%broadcast_in_dim3A_9, %parallel_loop3A_323] : memref<2x10000xf32, #tpu.memory_space<vmem>>[vector<16xi32>, vector<16xi32>], vector<16xf32>,
      %parallel_loop3A_329 = tpu.vector_load_idx %arg5[%add3A_12, %parallel_loop3A_327] : memref<2x10000xf32, #tpu.memory_space<vmem>>[vector<16xi32>, vector<16xi32>], vector<16xf32>,
      %parallel_loop3A_330 = arith.addf %parallel_loop3A_328, %parallel_loop3A_329 : vector<16xf32>
      %parallel_loop3A_331 = math.absf %parallel_loop3A_330 : vector<16xf32>
      %parallel_loop3A_332 = arith.constant 0.000000e+00 : f32
      %parallel_loop3A_333 = vector.broadcast %parallel_loop3A_332 : f32 to vector<16xf32>
      %parallel_loop3A_334 = arith.subf %parallel_loop3A_333, %parallel_loop3A_331 : vector<16xf32>
      %parallel_loop3A_335 = math.exp %parallel_loop3A_334 : vector<16xf32>
      %parallel_loop3A_336 = arith.constant 0.114664972 : f32
      %parallel_loop3A_337 = vector.broadcast %parallel_loop3A_336 : f32 to vector<16xf32>
      %parallel_loop3A_338 = arith.mulf %parallel_loop3A_337, %parallel_loop3A_335 : vector<16xf32>
      %parallel_loop3A_339 = arith.constant -0.408439934 : f32
      %parallel_loop3A_340 = vector.broadcast %parallel_loop3A_339 : f32 to vector<16xf32>
      %parallel_loop3A_341 = arith.addf %parallel_loop3A_338, %parallel_loop3A_340 : vector<16xf32>
      %parallel_loop3A_342 = arith.mulf %parallel_loop3A_341, %parallel_loop3A_335 : vector<16xf32>
      %parallel_loop3A_343 = arith.constant 0.987460732 : f32
      %parallel_loop3A_344 = vector.broadcast %parallel_loop3A_343 : f32 to vector<16xf32>
      %parallel_loop3A_345 = arith.addf %parallel_loop3A_342, %parallel_loop3A_344 : vector<16xf32>
      %parallel_loop3A_346 = arith.constant 0.000000e+00 : f32
      %parallel_loop3A_347 = vector.broadcast %parallel_loop3A_346 : f32 to vector<16xf32>
      %parallel_loop3A_348 = arith.maximumf %parallel_loop3A_330, %parallel_loop3A_347 : vector<16xf32>
      %parallel_loop3A_349 = arith.mulf %parallel_loop3A_345, %parallel_loop3A_335 : vector<16xf32>
      %parallel_loop3A_350 = arith.addf %parallel_loop3A_348, %parallel_loop3A_349 : vector<16xf32>
      %parallel_loop3A_351 = arith.constant 0.000000e+00 : f32
      %parallel_loop3A_352 = vector.broadcast %parallel_loop3A_351 : f32 to vector<16xf32>
      %parallel_loop3A_353 = arith.subf %parallel_loop3A_352, %parallel_loop3A_350 : vector<16xf32>
      %parallel_loop3A_354 = arith.constant 0 : i32
      %parallel_loop3A_355 = arith.index_cast %parallel_loop3A_21 : i32 to index
      %parallel_loop3A_356 = arith.index_cast %parallel_loop3A_354 : i32 to index
      %parallel_loop3A_357 = arith.constant 96 : index
      %parallel_loop3A_358 = tpu.vector_load %arg7[%parallel_loop3A_355, %parallel_loop3A_356, %parallel_loop3A_357] {strides = array<i32>} : memref<41x2x128xf32, #tpu.memory_space<vmem>>, vector<16xf32>,
      tpu.vector_store %arg7[%parallel_loop3A_355, %parallel_loop3A_356, %parallel_loop3A_357], %parallel_loop3A_353 {strides = array<i32>} : memref<41x2x128xf32, #tpu.memory_space<vmem>>, vector<16xf32>,
      %parallel_loop3A_359 = arith.subf %parallel_loop3A_330, %parallel_loop3A_350 : vector<16xf32>
      %parallel_loop3A_360 = arith.constant 1 : i32
      %parallel_loop3A_361 = arith.index_cast %parallel_loop3A_21 : i32 to index
      %parallel_loop3A_362 = arith.index_cast %parallel_loop3A_360 : i32 to index
      %parallel_loop3A_363 = arith.constant 96 : index
      %parallel_loop3A_364 = tpu.vector_load %arg7[%parallel_loop3A_361, %parallel_loop3A_362, %parallel_loop3A_363] {strides = array<i32>} : memref<41x2x128xf32, #tpu.memory_space<vmem>>, vector<16xf32>,
      tpu.vector_store %arg7[%parallel_loop3A_361, %parallel_loop3A_362, %parallel_loop3A_363], %parallel_loop3A_359 {strides = array<i32>} : memref<41x2x128xf32, #tpu.memory_space<vmem>>, vector<16xf32>,
      %parallel_loop3A_365 = arith.constant 128 : i32
      %parallel_loop3A_366 = arith.muli %parallel_loop3A_21, %parallel_loop3A_365 : i32
      %parallel_loop3A_367 = arith.constant 112 : i32
      %parallel_loop3A_368 = arith.addi %parallel_loop3A_366, %parallel_loop3A_367 : i32
      %parallel_loop3A_369 = arith.constant 0 : i32
      %parallel_loop3A_370 = arith.index_cast %parallel_loop3A_369 : i32 to index
      %parallel_loop3A_371 = arith.index_cast %parallel_loop3A_368 : i32 to index
      %parallel_loop3A_372 = tpu.vector_load %arg6[%parallel_loop3A_370, %parallel_loop3A_371] {strides = array<i32>} : memref<2x5248xi32, #tpu.memory_space<vmem>>, vector<16xi32>,
      %parallel_loop3A_373 = arith.constant 1 : i32
      %parallel_loop3A_374 = arith.index_cast %parallel_loop3A_373 : i32 to index
      %parallel_loop3A_375 = arith.index_cast %parallel_loop3A_368 : i32 to index
      %parallel_loop3A_376 = tpu.vector_load %arg6[%parallel_loop3A_374, %parallel_loop3A_375] {strides = array<i32>} : memref<2x5248xi32, #tpu.memory_space<vmem>>, vector<16xi32>,
      %parallel_loop3A_377 = tpu.vector_load_idx %arg5[%broadcast_in_dim3A_9, %parallel_loop3A_372] : memref<2x10000xf32, #tpu.memory_space<vmem>>[vector<16xi32>, vector<16xi32>], vector<16xf32>,
      %parallel_loop3A_378 = tpu.vector_load_idx %arg5[%add3A_12, %parallel_loop3A_376] : memref<2x10000xf32, #tpu.memory_space<vmem>>[vector<16xi32>, vector<16xi32>], vector<16xf32>,
      %parallel_loop3A_379 = arith.addf %parallel_loop3A_377, %parallel_loop3A_378 : vector<16xf32>
      %parallel_loop3A_380 = math.absf %parallel_loop3A_379 : vector<16xf32>
      %parallel_loop3A_381 = arith.constant 0.000000e+00 : f32
      %parallel_loop3A_382 = vector.broadcast %parallel_loop3A_381 : f32 to vector<16xf32>
      %parallel_loop3A_383 = arith.subf %parallel_loop3A_382, %parallel_loop3A_380 : vector<16xf32>
      %parallel_loop3A_384 = math.exp %parallel_loop3A_383 : vector<16xf32>
      %parallel_loop3A_385 = arith.constant 0.114664972 : f32
      %parallel_loop3A_386 = vector.broadcast %parallel_loop3A_385 : f32 to vector<16xf32>
      %parallel_loop3A_387 = arith.mulf %parallel_loop3A_386, %parallel_loop3A_384 : vector<16xf32>
      %parallel_loop3A_388 = arith.constant -0.408439934 : f32
      %parallel_loop3A_389 = vector.broadcast %parallel_loop3A_388 : f32 to vector<16xf32>
      %parallel_loop3A_390 = arith.addf %parallel_loop3A_387, %parallel_loop3A_389 : vector<16xf32>
      %parallel_loop3A_391 = arith.mulf %parallel_loop3A_390, %parallel_loop3A_384 : vector<16xf32>
      %parallel_loop3A_392 = arith.constant 0.987460732 : f32
      %parallel_loop3A_393 = vector.broadcast %parallel_loop3A_392 : f32 to vector<16xf32>
      %parallel_loop3A_394 = arith.addf %parallel_loop3A_391, %parallel_loop3A_393 : vector<16xf32>
      %parallel_loop3A_395 = arith.constant 0.000000e+00 : f32
      %parallel_loop3A_396 = vector.broadcast %parallel_loop3A_395 : f32 to vector<16xf32>
      %parallel_loop3A_397 = arith.maximumf %parallel_loop3A_379, %parallel_loop3A_396 : vector<16xf32>
      %parallel_loop3A_398 = arith.mulf %parallel_loop3A_394, %parallel_loop3A_384 : vector<16xf32>
      %parallel_loop3A_399 = arith.addf %parallel_loop3A_397, %parallel_loop3A_398 : vector<16xf32>
      %parallel_loop3A_400 = arith.constant 0.000000e+00 : f32
      %parallel_loop3A_401 = vector.broadcast %parallel_loop3A_400 : f32 to vector<16xf32>
      %parallel_loop3A_402 = arith.subf %parallel_loop3A_401, %parallel_loop3A_399 : vector<16xf32>
      %parallel_loop3A_403 = arith.constant 0 : i32
      %parallel_loop3A_404 = arith.index_cast %parallel_loop3A_21 : i32 to index
      %parallel_loop3A_405 = arith.index_cast %parallel_loop3A_403 : i32 to index
      %parallel_loop3A_406 = arith.constant 112 : index
      %parallel_loop3A_407 = tpu.vector_load %arg7[%parallel_loop3A_404, %parallel_loop3A_405, %parallel_loop3A_406] {strides = array<i32>} : memref<41x2x128xf32, #tpu.memory_space<vmem>>, vector<16xf32>,
      tpu.vector_store %arg7[%parallel_loop3A_404, %parallel_loop3A_405, %parallel_loop3A_406], %parallel_loop3A_402 {strides = array<i32>} : memref<41x2x128xf32, #tpu.memory_space<vmem>>, vector<16xf32>,
      %parallel_loop3A_408 = arith.subf %parallel_loop3A_379, %parallel_loop3A_399 : vector<16xf32>
      %parallel_loop3A_409 = arith.constant 1 : i32
      %parallel_loop3A_410 = arith.index_cast %parallel_loop3A_21 : i32 to index
      %parallel_loop3A_411 = arith.index_cast %parallel_loop3A_409 : i32 to index
      %parallel_loop3A_412 = arith.constant 112 : index
      %parallel_loop3A_413 = tpu.vector_load %arg7[%parallel_loop3A_410, %parallel_loop3A_411, %parallel_loop3A_412] {strides = array<i32>} : memref<41x2x128xf32, #tpu.memory_space<vmem>>, vector<16xf32>,
      tpu.vector_store %arg7[%parallel_loop3A_410, %parallel_loop3A_411, %parallel_loop3A_412], %parallel_loop3A_408 {strides = array<i32>} : memref<41x2x128xf32, #tpu.memory_space<vmem>>, vector<16xf32>,
    } {sc.loop_unroll_factor = 1 : i64, sc.parallel_access}
    %mul3A_16 = arith.constant 39 : i32
    %mul3A_17 = arith.muli %add3A, %mul3A_16 : i32
    "tpu.region"() ({
      %run_scoped3A = tpu.sem_alloc : memref<!tpu.dma_semaphore, #tpu.memory_space<semaphore_mem>>
      %dma_start3A_21 = arith.constant 0 : i32
      %dma_start3A_22 = arith.constant 0 : i32
      %dma_start3A_23 = arith.constant 0 : i32
      %dma_start3A_24 = tpu.memref_slice %arg7[%dma_start3A_21, %dma_start3A_22, %dma_start3A_23] : memref<41x2x128xf32, #tpu.memory_space<vmem>> -> memref<39x2x128xf32, #tpu.memory_space<vmem>>
      %dma_start3A_25 = arith.constant 0 : i32
      %dma_start3A_26 = arith.constant 0 : i32
      %dma_start3A_27 = tpu.memref_slice %arg4[%mul3A_17, %dma_start3A_25, %dma_start3A_26] : memref<1250x2x128xf32, #tpu.memory_space<hbm>> -> memref<39x2x128xf32, #tpu.memory_space<hbm>>
      %dma_start3A_28 = arith.constant 0 : i32
      %dma_start3A_29 = arith.constant 0 : i32
      %dma_start3A_30 = tpu.memref_slice %arg4[%mul3A_17, %dma_start3A_28, %dma_start3A_29] : memref<1250x2x128xf32, #tpu.memory_space<hbm>> -> memref<39x2x128xf32, #tpu.memory_space<hbm>>
      %dma_start3A_31 = arith.constant 0 : i32
      %dma_start3A_32 = arith.constant 0 : i32
      %dma_start3A_33 = arith.constant 0 : i32
      %dma_start3A_34 = tpu.memref_slice %arg7[%dma_start3A_31, %dma_start3A_32, %dma_start3A_33] : memref<41x2x128xf32, #tpu.memory_space<vmem>> -> memref<39x2x128xf32, #tpu.memory_space<vmem>>
      tpu.enqueue_dma source(%dma_start3A_34 : memref<39x2x128xf32, #tpu.memory_space<vmem>>) target(%dma_start3A_30 : memref<39x2x128xf32, #tpu.memory_space<hbm>>) target_semaphore(%run_scoped3A : memref<!tpu.dma_semaphore, #tpu.memory_space<semaphore_mem>>)
      %dma_wait3A_35 = arith.constant 0 : i32
      %dma_wait3A_36 = arith.constant 0 : i32
      %dma_wait3A_37 = arith.constant 0 : i32
      %dma_wait3A_38 = tpu.memref_slice %arg7[%dma_wait3A_35, %dma_wait3A_36, %dma_wait3A_37] : memref<41x2x128xf32, #tpu.memory_space<vmem>> -> memref<39x2x128xf32, #tpu.memory_space<vmem>>
      %dma_wait3A_39 = arith.constant 0 : i32
      %dma_wait3A_40 = arith.constant 0 : i32
      %dma_wait3A_41 = tpu.memref_slice %arg4[%mul3A_17, %dma_wait3A_39, %dma_wait3A_40] : memref<1250x2x128xf32, #tpu.memory_space<hbm>> -> memref<39x2x128xf32, #tpu.memory_space<hbm>>
      %dma_wait3A_42 = arith.constant 0 : i32
      %dma_wait3A_43 = arith.constant 0 : i32
      %dma_wait3A_44 = tpu.memref_slice %arg4[%mul3A_17, %dma_wait3A_42, %dma_wait3A_43] : memref<1250x2x128xf32, #tpu.memory_space<hbm>> -> memref<39x2x128xf32, #tpu.memory_space<hbm>>
      %dma_wait3A_45 = arith.constant 0 : i32
      %dma_wait3A_46 = arith.constant 0 : i32
      %dma_wait3A_47 = arith.constant 0 : i32
      %dma_wait3A_48 = tpu.memref_slice %arg7[%dma_wait3A_45, %dma_wait3A_46, %dma_wait3A_47] : memref<41x2x128xf32, #tpu.memory_space<vmem>> -> memref<39x2x128xf32, #tpu.memory_space<vmem>>
      tpu.wait_dma2 semaphore(%run_scoped3A : memref<!tpu.dma_semaphore, #tpu.memory_space<semaphore_mem>>) src(%dma_wait3A_48 : memref<39x2x128xf32, #tpu.memory_space<vmem>>) dst(%dma_wait3A_44 : memref<39x2x128xf32, #tpu.memory_space<hbm>>)
      tpu.yield
    }) : () -> ()
    %eq3A_18 = arith.constant 31 : i32
    %eq3A_19 = arith.cmpi eq, %add3A, %eq3A_18 : i32
    %convert_element_type3A = arith.extui %eq3A_19 : i1 to i32
    %cond3A = arith.constant 0 : i32
    %cond3A_20 = arith.cmpi ne, %convert_element_type3A, %cond3A : i32
    scf.if %cond3A_20 {
      %add3A_21 = arith.constant 39 : i32
      %add3A_22 = arith.addi %mul3A_17, %add3A_21 : i32
      "tpu.region"() ({
        %run_scoped3A = tpu.sem_alloc : memref<!tpu.dma_semaphore, #tpu.memory_space<semaphore_mem>>
        %dma_start3A_23 = arith.constant 39 : i32
        %dma_start3A_24 = arith.constant 0 : i32
        %dma_start3A_25 = arith.constant 0 : i32
        %dma_start3A_26 = tpu.memref_slice %arg7[%dma_start3A_23, %dma_start3A_24, %dma_start3A_25] : memref<41x2x128xf32, #tpu.memory_space<vmem>> -> memref<2x2x128xf32, #tpu.memory_space<vmem>>
        %dma_start3A_27 = arith.constant 0 : i32
        %dma_start3A_28 = arith.constant 0 : i32
        %dma_start3A_29 = tpu.memref_slice %arg4[%add3A_22, %dma_start3A_27, %dma_start3A_28] : memref<1250x2x128xf32, #tpu.memory_space<hbm>> -> memref<2x2x128xf32, #tpu.memory_space<hbm>>
        %dma_start3A_30 = arith.constant 0 : i32
        %dma_start3A_31 = arith.constant 0 : i32
        %dma_start3A_32 = tpu.memref_slice %arg4[%add3A_22, %dma_start3A_30, %dma_start3A_31] : memref<1250x2x128xf32, #tpu.memory_space<hbm>> -> memref<2x2x128xf32, #tpu.memory_space<hbm>>
        %dma_start3A_33 = arith.constant 39 : i32
        %dma_start3A_34 = arith.constant 0 : i32
        %dma_start3A_35 = arith.constant 0 : i32
        %dma_start3A_36 = tpu.memref_slice %arg7[%dma_start3A_33, %dma_start3A_34, %dma_start3A_35] : memref<41x2x128xf32, #tpu.memory_space<vmem>> -> memref<2x2x128xf32, #tpu.memory_space<vmem>>
        tpu.enqueue_dma source(%dma_start3A_36 : memref<2x2x128xf32, #tpu.memory_space<vmem>>) target(%dma_start3A_32 : memref<2x2x128xf32, #tpu.memory_space<hbm>>) target_semaphore(%run_scoped3A : memref<!tpu.dma_semaphore, #tpu.memory_space<semaphore_mem>>)
        %dma_wait3A_37 = arith.constant 39 : i32
        %dma_wait3A_38 = arith.constant 0 : i32
        %dma_wait3A_39 = arith.constant 0 : i32
        %dma_wait3A_40 = tpu.memref_slice %arg7[%dma_wait3A_37, %dma_wait3A_38, %dma_wait3A_39] : memref<41x2x128xf32, #tpu.memory_space<vmem>> -> memref<2x2x128xf32, #tpu.memory_space<vmem>>
        %dma_wait3A_41 = arith.constant 0 : i32
        %dma_wait3A_42 = arith.constant 0 : i32
        %dma_wait3A_43 = tpu.memref_slice %arg4[%add3A_22, %dma_wait3A_41, %dma_wait3A_42] : memref<1250x2x128xf32, #tpu.memory_space<hbm>> -> memref<2x2x128xf32, #tpu.memory_space<hbm>>
        %dma_wait3A_44 = arith.constant 0 : i32
        %dma_wait3A_45 = arith.constant 0 : i32
        %dma_wait3A_46 = tpu.memref_slice %arg4[%add3A_22, %dma_wait3A_44, %dma_wait3A_45] : memref<1250x2x128xf32, #tpu.memory_space<hbm>> -> memref<2x2x128xf32, #tpu.memory_space<hbm>>
        %dma_wait3A_47 = arith.constant 39 : i32
        %dma_wait3A_48 = arith.constant 0 : i32
        %dma_wait3A_49 = arith.constant 0 : i32
        %dma_wait3A_50 = tpu.memref_slice %arg7[%dma_wait3A_47, %dma_wait3A_48, %dma_wait3A_49] : memref<41x2x128xf32, #tpu.memory_space<vmem>> -> memref<2x2x128xf32, #tpu.memory_space<vmem>>
        tpu.wait_dma2 semaphore(%run_scoped3A : memref<!tpu.dma_semaphore, #tpu.memory_space<semaphore_mem>>) src(%dma_wait3A_50 : memref<2x2x128xf32, #tpu.memory_space<vmem>>) dst(%dma_wait3A_46 : memref<2x2x128xf32, #tpu.memory_space<hbm>>)
        tpu.yield
      }) : () -> ()
    } else {
    }
    return
  }
}

module attributes {stable_mosaic.version = 14 : i64} {
  func.func @_proj_body(%arg0: i32, %arg1: memref<2x512xf32, #tpu.memory_space<vmem>>, %arg2: memref<2xf32, #tpu.memory_space<smem>>, %arg3: memref<5120x256xf32, #tpu.memory_space<vmem>>, %arg4: memref<2x5120xf32, #tpu.memory_space<vmem>>) attributes {dimension_semantics = [#tpu.dimension_semantics<arbitrary>], iteration_bounds = array<i64: 2>, scalar_prefetch = 0 : i64, scratch_operands = 0 : i64, tpu.core_type = #tpu.core_type<tc>, window_params = [{pipeline_mode = #tpu.pipeline_mode<synchronous>, transform_indices = @transform_0, window_bounds = array<i64: 2, 512>}, {transform_indices = @transform_1, window_bounds = array<i64: 2>}, {transform_indices = @transform_2, window_bounds = array<i64: 5120, 256>}, {transform_indices = @transform_3, window_bounds = array<i64: 2, 5120>}]} {
    %get3A = arith.constant 1 : index
    %get3A_0 = arith.constant 0 : index
    %get3A_1 = vector.load %arg1[%get3A, %get3A_0] : memref<2x512xf32, #tpu.memory_space<vmem>>, vector<1x512xf32>
    %get3A_2 = arith.constant 0 : index
    %get3A_3 = arith.constant 0 : index
    %get3A_4 = vector.load %arg1[%get3A_2, %get3A_3] : memref<2x512xf32, #tpu.memory_space<vmem>>, vector<1x512xf32>
    %sub3A = arith.subf %get3A_1, %get3A_4 : vector<1x512xf32>
    %slice3A = vector.extract_strided_slice %sub3A {offsets = [0, 0], sizes = [1, 256], strides = [1, 1]} : vector<1x512xf32> to vector<1x256xf32>
    %slice3A_5 = vector.extract_strided_slice %sub3A {offsets = [0, 256], sizes = [1, 256], strides = [1, 1]} : vector<1x512xf32> to vector<1x256xf32>
    %concatenate3A = tpu.concatenate %slice3A, %slice3A_5 in 0 : vector<1x256xf32>, vector<1x256xf32> -> vector<2x256xf32>
    %get3A_6 = arith.constant 0 : index
    %get3A_7 = arith.constant 0 : index
    %get3A_8 = vector.load %arg3[%get3A_6, %get3A_7] : memref<5120x256xf32, #tpu.memory_space<vmem>>, vector<5120x256xf32>
    %dot_general3A = arith.constant dense<0.000000e+00> : vector<2x5120xf32>
    %dot_general3A_9 = tpu.matmul %concatenate3A, %get3A_8, %dot_general3A {dimension_numbers = #tpu.dot_dimension_numbers<[1], [1], [0], [0], [0, 0, 1, 0], [], []>, transpose_lhs_hint = false} : vector<2x256xf32>, vector<5120x256xf32>, vector<2x5120xf32> -> vector<2x5120xf32>
    %iota3A = tpu.iota {dimensions = array<i32: 0>} : vector<2x5120xi32>
    %eq3A = arith.constant 0 : i32
    %eq3A_10 = vector.broadcast %eq3A : i32 to vector<2x5120xi32>
    %eq3A_11 = arith.cmpi eq, %iota3A, %eq3A_10 : vector<2x5120xi32>
    %get3A_12 = arith.constant 1 : index
    %get3A_13 = memref.load %arg2[%get3A_12] : memref<2xf32, #tpu.memory_space<smem>>
    %get3A_14 = arith.constant 0 : index
    %get3A_15 = memref.load %arg2[%get3A_14] : memref<2xf32, #tpu.memory_space<smem>>
    %sub3A_16 = arith.subf %get3A_13, %get3A_15 : f32
    %jit3A = arith.constant 0.000000e+00 : f32
    %broadcast_in_dim3A = vector.broadcast %sub3A_16 : f32 to vector<2x5120xf32>
    %broadcast_in_dim3A_17 = vector.broadcast %jit3A : f32 to vector<2x5120xf32>
    %select_n3A = arith.select %eq3A_11, %broadcast_in_dim3A, %broadcast_in_dim3A_17 : vector<2x5120xi1>, vector<2x5120xf32>
    %add3A = arith.addf %dot_general3A_9, %select_n3A : vector<2x5120xf32>
    %swap3A = arith.constant 0 : index
    %swap3A_18 = arith.constant 0 : index
    %swap3A_19 = vector.load %arg4[%swap3A, %swap3A_18] : memref<2x5120xf32, #tpu.memory_space<vmem>>, vector<2x5120xf32>
    tpu.vector_store %arg4[%swap3A, %swap3A_18], %add3A {strides = array<i32>} : memref<2x5120xf32, #tpu.memory_space<vmem>>, vector<2x5120xf32>,
    return
  }
  func.func @transform_0(%arg0: i32) -> (i32, i32) {
    %c0_i32 = arith.constant 0 : i32
    %c0_i32_0 = arith.constant 0 : i32
    %c0_i32_1 = arith.constant 0 : i32
    return %c0_i32, %c0_i32_0 : i32, i32
  }
  func.func @transform_1(%arg0: i32) -> i32 {
    %c0_i32 = arith.constant 0 : i32
    %c0_i32_0 = arith.constant 0 : i32
    return %c0_i32 : i32
  }
  func.func @transform_2(%arg0: i32) -> (i32, i32) {
    %c0_i32 = arith.constant 0 : i32
    %c0_i32_0 = arith.constant 0 : i32
    return %arg0, %c0_i32 : i32, i32
  }
  func.func @transform_3(%arg0: i32) -> (i32, i32) {
    %c0_i32 = arith.constant 0 : i32
    %c0_i32_0 = arith.constant 0 : i32
    return %c0_i32, %arg0 : i32, i32
  }
}

</mosaic_0001>

<sc_bundles>
// kernel: kernel.4.cloned.1.call-start
scs
__scs_entry_jumppad:
0x0: {  	(pc) =	sbr.rel $0x88, $3  }
0x1: {  	(tag) =	ssettag $0x0;
	lr =	simm.s32 $0x1  }
0x2: {  	[smem:$0x3F9D] =	sst lr;
	_ =	strace $0xD0000000  }
0x3: {  	_ = 	snop  }
0x4: {  	_ = 	snop  }
0x5: {  	_ = 	snop  }
0x6: {  	_ = 	snop  }
0x7: {  	_ = 	snop  }
__scs_overlays_trampoline_lowered:
0x8: {  	[smem:$0x3FAC] =	sst s0  }
0x9: {  	[smem:$0x3FAD] =	sst s1  }
0xa: {  	[smem:$0x3FAE] =	sst s2  }
0xb: {  	[smem:$0x3FAF] =	sst s3  }
0xc: {  	[smem:$0x3FB0] =	sst s4  }
0xd: {  	[smem:$0x3FB1] =	sst s5  }
0xe: {  	[smem:$0x3FB2] =	sst s6  }
0xf: {  	[smem:$0x3FB3] =	sst s7  }
0x10: {  	[smem:$0x3FB4] =	sst s8  }
0x11: {  	[smem:$0x3FB5] =	sst s9;
	s0 =	simm.s32 @!p0 $0x0  }
0x12: {  	s1 =	sld [smem:$0x3F9B];
	s0 =	simm.s32 @p0 $0x1  }
0x13: {  	[smem:$0x3FB6] =	sst s0;
	s0 =	simm.s32 @!p1 $0x0  }
0x14: {  	s2 =	sld [smem:$0x3F9A];
	s0 =	simm.s32 @p1 $0x1  }
0x15: {  	[smem:$0x3FB7] =	sst s0;
	s0 =	simm.s32 @!p2 $0x0  }
0x16: {  	s3 =	sld [smem:$0x3FDB];
	s0 =	simm.s32 @p2 $0x1  }
0x17: {  	s4 =	simm.s32 $0x1BF5;
	[smem:$0x3FB9] =	sst s0  }
0x18: {  	s0 =	sld [smem:$0x3F9C];
	_ =	swait.ge [sflag:s4], $0x0  }
0x19: {  	s7 =	sld [smem:$0x3F9D]  }
0x1a: {  	s8 =	sadd.s32 $0xFFFFE003, lr  }
0x1b: {  	s9 =	sadd.s32 $0xFFFFFEF7, lr;
	s5 =	simm.s32 $0xFFFFFFFF;
	p2 =	slt.u32 s8, $0xFFFFF086  }
0x1c: {  	p1 =	slt.u32 s9, $0xF7A;
	s5 =	simm.s32 @!p2 $0x0  }
0x1d: {  	s5 =	simm.s32 @p1 $0x1;
	p0 =	seq.s32 s7, s2  }
0x1e: {  	s7 =	smul.u32 @!p0 $0xF7A, s2;
	p2 =	seq.s32 @!p0 s5, $0x0  }
0x1f: {  	s9 =	smul.u32 $0xF7A, s1;
	s8 =	simm.s32 @!p0 $0x1BF5;
	p2 =	por !p2, p0  }
0x20: {  	[sflag:s8] =	ssyncset.s32 @!p0 $0xFFFFF086;
	s6 =	sadd.s32 @!p0 s3, s7;
	s7 =	simm.s32 @!p0 $0x108  }
0x21: {  	s3 =	sadd.s32 s3, s9;
	s6 =	sadd.s32 @!p0 $0x88, s6;
	s7 =	simm.s32 @p2 $0x1082  }
0x22: {  	[simem:s7], [sflag:s8] =	dma.local @!p0 [hbm:s6], $0xF7A  }
0x23: {  	s9 =	sor.u32 $0xD0000000, s2;
	s6 =	simm.s32 $0x108;
	_ =	swait.ge @!p0 [sflag:s8], $0x0  }
0x24: {  	s3 =	sadd.s32 $0x88, s3;
	s6 =	simm.s32 @!p1 $0x1082;
	[sflag:s4] =	ssyncset.s32 $0xFFFFF086  }
0x25: {  	[simem:s6], [sflag:s4] =	dma.local [hbm:s3], $0xF7A  }
0x26: {  	[smem:$0x3F9D] =	sst s1;
	(tag) =	ssettag s2;
	_ =	strace s9  }
0x27: {  	s1 =	sld [smem:$0x3FAD]  }
0x28: {  	s2 =	sld [smem:$0x3FAE]  }
0x29: {  	s4 =	sld [smem:$0x3FB0]  }
0x2a: {  	p0 =	seq.s32 s5, $0x0;
	s5 =	sld [smem:$0x3FB1]  }
0x2b: {  	s6 =	sld [smem:$0x3FB2]  }
0x2c: {  	s7 =	sld [smem:$0x3FB3]  }
0x2d: {  	s3 =	simm.s32 $0x108;
	s8 =	sld [smem:$0x3FB4]  }
0x2e: {  	s3 =	simm.s32 @!p0 $0x1082;
	s9 =	sld [smem:$0x3FB5]  }
0x2f: {  	lr =	sadd.s32 s0, s3;
	s0 =	sld [smem:$0x3FAC]  }
0x30: {  	s3 =	sld [smem:$0x3FAF]  }
0x31: {  	[smem:$0x3FB8] =	sst s10  }
0x32: {  	s10 =	sld [smem:$0x3FB6];
	_ =	sdelay $0x3  }
0x33: {  	p0 =	seq.s32 s10, $0x1;
	s10 =	sld [smem:$0x3FB8];
	_ =	sdelay $0x3  }
0x34: {  	[smem:$0x3FB8] =	sst s10  }
0x35: {  	s10 =	sld [smem:$0x3FB7];
	_ =	sdelay $0x3  }
0x36: {  	p1 =	seq.s32 s10, $0x1;
	s10 =	sld [smem:$0x3FB8];
	_ =	sdelay $0x3  }
0x37: {  	[smem:$0x3FB8] =	sst s10  }
0x38: {  	s10 =	sld [smem:$0x3FB9]  }
0x39: {  	_ = 	snop;
	(pc) =	sbr.ind lr, $3  }
0x3a: {  	_ = 	snop  }
0x3b: {  	_ = 	snop  }
0x3c: {  	p2 =	seq.s32 s10, $0x1;
	s10 =	sld [smem:$0x3FB8]  }
0x3d: {  	_ =	shalt  }
0x3e: {  	_ =	shalt  }
0x3f: {  	_ =	shalt  }
0x40: {  	_ =	shalt  }
0x41: {  	_ =	shalt  }
0x42: {  	_ =	shalt  }
0x43: {  	_ =	shalt  }
0x44: {  	_ =	shalt  }
0x45: {  	_ =	shalt  }
0x46: {  	_ =	shalt  }
0x47: {  	_ =	shalt  }
0x48: {  	_ =	shalt  }
0x49: {  	_ =	shalt  }
0x4a: {  	_ =	shalt  }
0x4b: {  	_ =	shalt  }
0x4c: {  	_ =	shalt  }
0x4d: {  	_ =	shalt  }
0x4e: {  	_ =	shalt  }
0x4f: {  	_ =	shalt  }
0x50: {  	_ =	shalt  }
0x51: {  	_ =	shalt  }
0x52: {  	_ =	shalt  }
0x53: {  	_ =	shalt  }
0x54: {  	_ =	shalt  }
0x55: {  	_ =	shalt  }
0x56: {  	_ =	shalt  }
0x57: {  	_ =	shalt  }
0x58: {  	_ =	shalt  }
0x59: {  	_ =	shalt  }
0x5a: {  	_ =	shalt  }
0x5b: {  	_ =	shalt  }
0x5c: {  	_ =	shalt  }
0x5d: {  	_ =	shalt  }
0x5e: {  	_ =	shalt  }
0x5f: {  	_ =	shalt  }
0x60: {  	_ =	shalt  }
0x61: {  	_ =	shalt  }
0x62: {  	_ =	shalt  }
0x63: {  	_ =	shalt  }
0x64: {  	_ =	shalt  }
0x65: {  	_ =	shalt  }
0x66: {  	_ =	shalt  }
0x67: {  	_ =	shalt  }
0x68: {  	_ =	shalt  }
0x69: {  	_ =	shalt  }
0x6a: {  	_ =	shalt  }
0x6b: {  	_ =	shalt  }
0x6c: {  	_ =	shalt  }
0x6d: {  	_ =	shalt  }
0x6e: {  	_ =	shalt  }
0x6f: {  	_ =	shalt  }
0x70: {  	_ =	shalt  }
0x71: {  	_ =	shalt  }
0x72: {  	_ =	shalt  }
0x73: {  	_ =	shalt  }
0x74: {  	_ =	shalt  }
0x75: {  	_ =	shalt  }
0x76: {  	_ =	shalt  }
0x77: {  	_ =	shalt  }
0x78: {  	_ =	shalt  }
0x79: {  	_ =	shalt  }
0x7a: {  	_ =	shalt  }
0x7b: {  	_ =	shalt  }
0x7c: {  	_ =	shalt  }
0x7d: {  	_ =	shalt  }
0x7e: {  	_ =	shalt  }
0x7f: {  	_ =	shalt  }
0x80: {  	_ =	shalt  }
0x81: {  	_ =	shalt  }
0x82: {  	_ =	shalt  }
0x83: {  	_ =	shalt  }
0x84: {  	_ =	shalt  }
0x85: {  	_ =	shalt  }
0x86: {  	_ =	shalt  }
0x87: {  	_ =	shalt  }
.Lfunc_end0:
.L_simem_size_0:
called_computation_lowered:
.L_overlay_start_0:
0x88: {  	s2 =	sld [smem:$0x3FD9]  }
0x89: {  	s3 =	sld [smem:$0x3FFE];
	_ =	sdelay $0x1  }
0x8a: {  	s1 =	srdreg.scid  }
0x8b: {  	s0 =	sand.u32 $0x1, s1  }
0x8c: {  	s17 =	sshll.u32 s0, $0xA;
	s2 =	sadd.s32 s3, s2  }
0x8d: {  	s2 =	sadd.s32 s2, s17  }
0x8e: {  	[smem:$0x3FC4] =	sst s2  }
0x8f: {  	_ = 	snop  }
0x90: {  	s2 =	sld [smem:$0x3FC8]  }
0x91: {  	s18 =	sld [smem:$0x3FD0];
	(tm) =	ssettm $0x1  }
0x92: {  	s4 =	sld [smem:$0x3FFB];
	_ =	sdelay $0x3  }
0x93: {  	_ =	strace s4  }
0x94: {  	s4 =	sld [smem:$0x3FFC];
	_ =	sdelay $0x3  }
0x95: {  	_ =	strace s4  }
0x96: {  	s4 =	sld [smem:$0x3FFD];
	_ =	sdelay $0x3  }
0x97: {  	_ =	strace s4  }
0x98: {  	_ =	strace $0x8FFFFFFF  }
0x99: {  	s19 =	sld [smem:$0x3FDB];
	_ =	sdelay $0x1  }
0x9a: {  	s5 =	simm.s32 $_scs_section_size  }
0x9b: {  	s6 =	simm.s32 $_size__tile_overlayer_lowered;
	s7 =	simm.s32 $_tile_overlayer_lowered  }
0x9c: {  	s22 =	simm.s32 $0x1BFF;
	s21 =	sshll.u32 s7, $0x1;
	s4 =	sadd.s32 s5, s19  }
0x9d: {  	s8 =	simm.s32 $0x0;
	s20 =	sshll.u32 s6, $0x1;
	s6 =	sadd.s32 s21, s4  }
0x9e: {  	[timem:s8], [sflag:s22] =	dma.local [hbm:s6], s20  }
0x9f: {  	_ =	swait.ge [sflag:s22], s20  }
0xa0: {  	s5 =	ssub.s32 $0x0, s20;
	[sflag:s22] =	ssyncset.done $0x0  }
0xa1: {  	[sflag:s22] =	ssyncadd.s32 s5;
	_ =	sdelay $0x1  }
0xa2: {  	s23 =	simm.s32 $0x1B8B  }
0xa3: {  	_ =	swait.ge [sflag:s23], $0x1  }
0xa4: {  	[sflag:s23] =	ssyncset.done $0x0  }
0xa5: {  	s25 =	simm.s32 $0x1B8E;
	s24 =	sld [smem:$0x3FFE];
	[sflag:s23] =	ssyncadd.s32 $0xFFFFFFFF  }
0xa6: {  	s26 =	simm.s32 $execute0_lowered;
	[smem:$0x3FD2] =	sst s25  }
0xa7: {  	s6 =	sshll.u32 s26, $0x1;
	_ =	strace $0x80000046;
	[dreg:$0x1] =	wrdreg $0xFFFFFFFF  }
0xa8: {  	s28 =	simm.s32 $_size_execute0_lowered;
	s4 =	sadd.s32 s4, s6;
	[dreg:$0x0] =	wrdreg $0x0  }
0xa9: {  	s6 =	sshll.u32 s28, $0x1;
	[dreg:$0x2] =	wrdreg s4  }
0xaa: {  	[dreg:$0x3] =	wrdreg s6  }
0xab: {  	[dreg:$0x4] =	wrdreg $0xC0  }
0xac: {  	_ =	task [dreg:s8], $0x5FFFF  }
0xad: {  	[dreg:$0x1] =	wrdreg $0xFFFFFFFF  }
0xae: {  	[dreg:$0x0] =	wrdreg $0x60  }
0xaf: {  	[dreg:$0x2] =	wrdreg s24  }
0xb0: {  	[dreg:$0x3] =	wrdreg s2  }
0xb1: {  	[dreg:$0x4] =	wrdreg s18  }
0xb2: {  	[dreg:$0x5] =	wrdreg $0x9  }
0xb3: {  	_ =	task.clear_ibuf [dreg:s8], $0x6FFFF;
	_ =	strace $0x90000046  }
0xb4: {  	s29 =	simm.s32 $0x9;
	_ =	strace $0x80000048  }
0xb5: {  	_ =	swait.ge [sflag:s29], $0x1  }
0xb6: {  	[sflag:s29] =	ssyncadd.s32 $0xFFFFFFFF  }
0xb7: {  	_ =	strace $0x90000048  }
0xb8: {  	_ =	sfence  }
0xb9: {  	s30 =	sld [smem:$0x0];
	_ =	sdelay $0x2  }
0xba: {  	s31 =	sshll.u32 s1, $0xD;
	s1 =	sshrl.u32 s1, $0x2  }
0xbb: {  	s3 =	sand.u32 $0x4000, s31;
	s1 =	sadd.s32 s1, s30  }
0xbc: {  	s0 =	sor.u32 s3, s0;
	s1 =	sshll.u32 s1, $0x11  }
0xbd: {  	s0 =	sor.u32 s1, s0  }
0xbe: {  	s0 =	sadd.s32 $0x8F2B, s0  }
0xbf: {  	[sflag:s0] =	ssyncadd.remote.s32 $0x1  }
0xc0: {  	_ =	sfence.sel $0xFFFF  }
0xc1: {  	[dreg:$0x0] =	wrdreg $0xFFFFFFFF;
	(pc) =	sbr.abs _section_cstart, $3  }
0xc2: {  	[dreg:$0x1] =	wrdreg $0xFFFFFFFF  }
0xc3: {  	_ =	task.clear_ibuf [dreg:s8], $0x2FFFF;
	_ =	strace $0x9FFFFFFF  }
0xc4: {  	(tm) =	ssettm $0x7FFFFFFF  }
0xc5: {  	_ =	shalt  }
tec
execute0_lowered:
.L_overlay_start_1:
0x0: {  	(tag) =	ssettag $0x1  }
0x1: {  	s0 =	rddreg [dreg:$0x0]  }
0x2: {  	s1 =	rddreg [dreg:$0x1]  }
0x3: {  	s7 =	rddreg [dreg:$0x2]  }
0x4: {  	s2 =	simm.s32 $0x0;
	s3 =	srdreg.scid;
	s5 =	stileid.u32  }
0x5: {  	s10 =	simm.s32 $0x1;
	s11 =	simm.s32 $0x2;
	s13 =	simm.s32 $0x3  }
0x6: {  	s14 =	simm.s32 $0x0;
	s4 =	sand.u32 $0x1, s3;
	s30 =	sshll.u32 s5, $0x1  }
0x7: {  	[smem:$0x7FF] =	sst s2;
	s3 =	sadd.s32 $0xC00, s0;
	s5 =	sor.u32 s4, s30  }
0x8: {  	_ =	strace $0x80000047;
	s31 =	ssub.s32 $0x2, s4;
	s6 =	smul.u32 $0x4E0, s5  }
0x9: {  	s4 =	simm.s32 $0x29;
	s8 =	sshrl.u32 s31, $0x1;
	p0 =	seq.s32 s5, $0x1F  }
0xa: {  	s0 =	ssub.s32 s31, s8;
	s4 =	simm.s32 @!p0 $0x27;
	s5 =	sadd.s32 s1, s6  }
0xb: {  	s6 =	sadd.s32 s7, s6;
	s7 =	sadd.s32 $0x9C00, s7;
	s8 =	smax.u32 s0, $0x1  }
.LBB2_1:
0xc: {  	[tilespmem:s2], [sflag:$0x1] =	stream.linear.gather [hbm4b:s3+s2], $0x4F00, $0x38;
	[tilespmem:$0xA100] =	vst v63  }
0xd: {  	s0 =	simm.s32 $0x4F00  }
0xe: {  	[tilespmem:s0], [sflag:$0x2] =	stream.linear.gather [hbm4b:s5+s2], $0x2900, $0x38;
	[tilespmem:$0xA100] =	vst v63  }
0xf: {  	_ =	swait.ge [sflag:s10], $0x4F00  }
0x10: {  	[sflag:s10] =	ssyncset.done $0x0  }
0x11: {  	[sflag:s10] =	ssyncadd.s32 $0xFFFFB100  }
0x12: {  	_ =	swait.ge [sflag:s11], $0x2900  }
0x13: {  	[sflag:s11] =	ssyncset.done $0x0  }
0x14: {  	s16 =	simm.s32 $0x4F80;
	[sflag:s11] =	ssyncadd.s32 $0xFFFFD700  }
0x15: {  	v0 =	vld [tilespmem:s16+$0xFFFFFF80]  }
0x16: {  	v1 =	vld [tilespmem:s16+$0x0];
	_ =	sdelay $0x4  }
0x17: {  	v2 =	vand.u32 $0x7F, v0;
	v0 =	vshll.u32 v0, $0x1;
	v3 =	vshll.u32 v1, $0x1  }
0x18: {  	v1 =	vand.u32 $0x7F, v1;
	v0 =	vand.u32 $0xFFFFFF00, v0;
	v3 =	vand.u32 $0xFFFFFF00, v3  }
0x19: {  	v0 =	vor.u32 v2, v0;
	v1 =	vor.u32 v3, v1  }
0x1a: {  	v1 =	vor.u32 $0x80, v1;
	_ =	sdelay $0x3  }
0x1b: {  	v0 =	vld.idx.msk [tilespmem:v0+s2+$0x0], $0xffff  }
0x1c: {  	v1 =	vld.idx.msk [tilespmem:v1+s2+$0x0], $0xffff;
	_ =	sdelay $0x4  }
0x1d: {  	v0 =	vadd.f32 v1, v0;
	_ =	sdelay $0x1  }
0x1e: {  	v1 =	vand.u32 $0x7FFFFFFF, v0  }
0x1f: {  	v1 =	vsub.f32 $0.0e+00, v1;
	_ =	sdelay $0x1  }
0x20: {  	v1 =	vmul.f32 $1.442695020e+00, v1;
	_ =	sdelay $0x1  }
0x21: {  	(erf) = vpow2.f32 v1;
	_ =	sdelay $0x8  }
0x22: {  	v1 =	vpop (erf)  }
0x23: {  	v62 =	vmul.f32 $1.146649720e-01, v1;
	_ =	sdelay $0x1  }
0x24: {  	v2 =	vadd.f32 $-4.084399340e-01, v62;
	_ =	sdelay $0x1  }
0x25: {  	v2 =	vmul.f32 v2, v1;
	_ =	sdelay $0x1  }
0x26: {  	v2 =	vadd.f32 $9.874607320e-01, v2;
	_ =	sdelay $0x1  }
0x27: {  	v1 =	vmul.f32 v2, v1  }
0x28: {  	p6 =	seq.s32 s4, $0x1;
	v63 =	vmax.f32 v0, $0.0e+00  }
.Ltmp0:
0x29: {  	v1 =	vadd.f32 v1, v63;
	(pc) =	sbr.rel @p6 .LBB2_2-.Ltmp0, $4  }
0x2a: {  	_ = 	snop  }
0x2b: {  	s15 =	simm.s32 $0x7880;
	v2 =	vsub.f32 $0.0e+00, v1  }
0x2c: {  	p1 =	por $0x0, $0x0;
	p2 =	por $0x0, $0x0;
	p3 =	por $0x0, $0x0  }
0x2d: {  	p4 =	por $0x0, $0x0;
	p5 =	por $0x0, $0x0;
	s0 =	sadd.s32 $0xFFFFFFFF, s4;
	v10 =	vsub.f32 v0, v1;
	[tilespmem:s15+$0xFFFFFF80] =	vst v2  }
0x2e: {  	_ = 	snop  }
0x2f: {  	[tilespmem:s15+$0x0] =	vst v10  }
0x30: {  	v0 =	vld [tilespmem:s16+$0xFFFFFF90]  }
0x31: {  	v1 =	vld [tilespmem:s16+$0x10];
	_ =	sdelay $0x4  }
0x32: {  	s18 =	simm.s32 $0x5080;
	v2 =	vand.u32 $0x7F, v0;
	v0 =	vshll.u32 v0, $0x1;
	v3 =	vshll.u32 v1, $0x1  }
0x33: {  	v4 =	vld [tilespmem:s18+$0xFFFFFF80];
	v1 =	vand.u32 $0x7F, v1;
	v3 =	vand.u32 $0xFFFFFF00, v3;
	v0 =	vand.u32 $0xFFFFFF00, v0  }
0x34: {  	v5 =	vld [tilespmem:s18+$0x0];
	v1 =	vor.u32 v3, v1;
	v0 =	vor.u32 v2, v0  }
0x35: {  	v1 =	vor.u32 $0x80, v1;
	_ =	sdelay $0x3  }
0x36: {  	v48 =	vand.u32 $0x7F, v4;
	v49 =	vshll.u32 v4, $0x1;
	v50 =	vshll.u32 v5, $0x1;
	v0 =	vld.idx.msk [tilespmem:v0+s2+$0x0], $0xffff  }
0x37: {  	v5 =	vand.u32 $0x7F, v5;
	v4 =	vand.u32 $0xFFFFFF00, v50;
	v3 =	vand.u32 $0xFFFFFF00, v49;
	v1 =	vld.idx.msk [tilespmem:v1+s2+$0x0], $0xffff  }
0x38: {  	v51 =	vor.u32 v4, v5;
	v2 =	vor.u32 v48, v3  }
0x39: {  	v3 =	vor.u32 $0x80, v51;
	_ =	sdelay $0x2  }
0x3a: {  	v0 =	vadd.f32 v1, v0  }
0x3b: {  	v52 =	vld.idx.msk [tilespmem:v2+s2+$0x0], $0xffff  }
0x3c: {  	v53 =	vld.idx.msk [tilespmem:v3+s2+$0x0], $0xffff;
	v54 =	vand.u32 $0x7FFFFFFF, v0  }
0x3d: {  	v3 =	vsub.f32 $0.0e+00, v54;
	_ =	sdelay $0x1  }
0x3e: {  	v3 =	vmul.f32 $1.442695020e+00, v3;
	_ =	sdelay $0x1  }
0x3f: {  	v1 =	vadd.f32 v53, v52;
	(erf) = vpow2.f32 v3;
	_ =	sdelay $0x1  }
0x40: {  	v2 =	vand.u32 $0x7FFFFFFF, v1  }
0x41: {  	v2 =	vsub.f32 $0.0e+00, v2;
	_ =	sdelay $0x1  }
0x42: {  	v2 =	vmul.f32 $1.442695020e+00, v2;
	_ =	sdelay $0x1  }
0x43: {  	(erf) = vpow2.f32 v2;
	_ =	sdelay $0x1  }
0x44: {  	v55 =	vpop (erf)  }
0x45: {  	v56 =	vmul.f32 $1.146649720e-01, v55;
	_ =	sdelay $0x1  }
0x46: {  	v3 =	vadd.f32 $-4.084399340e-01, v56;
	_ =	sdelay $0x1  }
0x47: {  	v3 =	vmul.f32 v3, v55;
	_ =	sdelay $0x1  }
0x48: {  	v57 =	vpop (erf);
	v3 =	vadd.f32 $9.874607320e-01, v3  }
0x49: {  	v58 =	vmul.f32 $1.146649720e-01, v57  }
0x4a: {  	v2 =	vmul.f32 v3, v55  }
0x4b: {  	v60 =	vmax.f32 v0, $0.0e+00;
	v59 =	vadd.f32 $-4.084399340e-01, v58  }
0x4c: {  	v2 =	vadd.f32 v2, v60  }
0x4d: {  	v3 =	vmul.f32 v59, v57  }
0x4e: {  	v5 =	vsub.f32 $0.0e+00, v2  }
0x4f: {  	v3 =	vadd.f32 $9.874607320e-01, v3;
	v0 =	vsub.f32 v0, v2  }
0x50: {  	[tilespmem:s15+$0xFFFFFF90] =	vst v5  }
0x51: {  	v61 =	vmul.f32 v3, v57;
	[tilespmem:s15+$0x10] =	vst v0  }
0x52: {  	p6 =	seq.s32 s0, $0x1;
	v62 =	vmax.f32 v1, $0.0e+00;
	v63 =	vld [tilespmem:s16+$0xFFFFFFA0]  }
.Ltmp1:
0x53: {  	v0 =	vadd.f32 v61, v62;
	(pc) =	sbr.rel @p6 .LBB2_4-.Ltmp1, $4  }
0x54: {  	_ = 	snop  }
0x55: {  	v2 =	vsub.f32 $0.0e+00, v0  }
0x56: {  	s19 =	simm.s32 $0x7980  }
0x57: {  	s0 =	sadd.s32 $0xFFFFFFFF, s0;
	p1 =	por $0x1, $0x1;
	v8 =	vld [tilespmem:s16+$0x20];
	v10 =	vsub.f32 v1, v0;
	[tilespmem:s19+$0xFFFFFF80] =	vst v2;
	v12 =	vand.u32 $0x7F, v63;
	v13 =	vshll.u32 v63, $0x1  }
0x58: {  	_ =	sdelay $0x3  }
0x59: {  	v0 =	vshll.u32 v8, $0x1  }
0x5a: {  	v2 =	vand.u32 $0xFFFFFF00, v13;
	v1 =	vand.u32 $0x7F, v8;
	v0 =	vand.u32 $0xFFFFFF00, v0  }
0x5b: {  	[tilespmem:s19+$0x0] =	vst v10;
	v2 =	vor.u32 v12, v2;
	v0 =	vor.u32 v0, v1  }
0x5c: {  	v43 =	vld [tilespmem:s18+$0xFFFFFF90];
	v0 =	vor.u32 $0x80, v0  }
0x5d: {  	v3 =	vld [tilespmem:s18+$0x10]  }
0x5e: {  	s20 =	simm.s32 $0x5180  }
0x5f: {  	v6 =	vld [tilespmem:s20+$0x0]  }
0x60: {  	v2 =	vld.idx.msk [tilespmem:v2+s2+$0x0], $0xffff  }
0x61: {  	v0 =	vld.idx.msk [tilespmem:v0+s2+$0x0], $0xffff  }
0x62: {  	v4 =	vld [tilespmem:s20+$0xFFFFFF80];
	v5 =	vand.u32 $0x7F, v43;
	v1 =	vshll.u32 v43, $0x1;
	v7 =	vshll.u32 v3, $0x1  }
0x63: {  	v3 =	vand.u32 $0x7F, v3;
	v7 =	vand.u32 $0xFFFFFF00, v7;
	v1 =	vand.u32 $0xFFFFFF00, v1  }
0x64: {  	v3 =	vor.u32 v7, v3;
	v1 =	vor.u32 v5, v1  }
0x65: {  	v3 =	vor.u32 $0x80, v3  }
0x66: {  	v46 =	vand.u32 $0x7F, v6;
	v6 =	vshll.u32 v6, $0x1;
	v0 =	vadd.f32 v0, v2  }
0x67: {  	v44 =	vand.u32 $0x7F, v4;
	v6 =	vand.u32 $0xFFFFFF00, v6  }
0x68: {  	v45 =	vshll.u32 v4, $0x1;
	v4 =	vor.u32 v6, v46;
	v7 =	vand.u32 $0x7FFFFFFF, v0  }
0x69: {  	v4 =	vor.u32 $0x80, v4;
	v1 =	vld.idx.msk [tilespmem:v1+s2+$0x0], $0xffff;
	v2 =	vand.u32 $0xFFFFFF00, v45;
	v47 =	vsub.f32 $0.0e+00, v7  }
0x6a: {  	v3 =	vld.idx.msk [tilespmem:v3+s2+$0x0], $0xffff;
	v2 =	vor.u32 v44, v2  }
0x6b: {  	v5 =	vmul.f32 $1.442695020e+00, v47;
	_ =	sdelay $0x1  }
0x6c: {  	(erf) = vpow2.f32 v5  }
0x6d: {  	v48 =	vld.idx.msk [tilespmem:v4+s2+$0x0], $0xffff  }
0x6e: {  	v1 =	vadd.f32 v3, v1;
	v2 =	vld.idx.msk [tilespmem:v2+s2+$0x0], $0xffff;
	_ =	sdelay $0x1  }
0x6f: {  	v49 =	vand.u32 $0x7FFFFFFF, v1  }
0x70: {  	v4 =	vsub.f32 $0.0e+00, v49;
	_ =	sdelay $0x1  }
0x71: {  	v4 =	vmul.f32 $1.442695020e+00, v4;
	v2 =	vadd.f32 v48, v2;
	_ =	sdelay $0x1  }
0x72: {  	(erf) = vpow2.f32 v4;
	v3 =	vand.u32 $0x7FFFFFFF, v2;
	v50 =	vpop (erf)  }
0x73: {  	v3 =	vsub.f32 $0.0e+00, v3;
	v51 =	vmul.f32 $1.146649720e-01, v50;
	_ =	sdelay $0x1  }
0x74: {  	v3 =	vmul.f32 $1.442695020e+00, v3;
	v5 =	vadd.f32 $-4.084399340e-01, v51;
	_ =	sdelay $0x1  }
0x75: {  	(erf) = vpow2.f32 v3;
	v52 =	vmul.f32 v5, v50;
	_ =	sdelay $0x1  }
0x76: {  	v3 =	vadd.f32 $9.874607320e-01, v52;
	_ =	sdelay $0x1  }
0x77: {  	v53 =	vpop (erf);
	v3 =	vmul.f32 v3, v50  }
0x78: {  	v6 =	vmax.f32 v0, $0.0e+00;
	v54 =	vmul.f32 $1.146649720e-01, v53  }
0x79: {  	v3 =	vadd.f32 v3, v6  }
0x7a: {  	v4 =	vadd.f32 $-4.084399340e-01, v54  }
0x7b: {  	v6 =	vsub.f32 $0.0e+00, v3  }
0x7c: {  	v4 =	vmul.f32 v4, v53;
	v7 =	vpop (erf);
	v0 =	vsub.f32 v0, v3  }
0x7d: {  	v55 =	vmul.f32 $1.146649720e-01, v7;
	[tilespmem:s15+$0xFFFFFFA0] =	vst v6  }
0x7e: {  	v4 =	vadd.f32 $9.874607320e-01, v4;
	[tilespmem:s15+$0x20] =	vst v0  }
0x7f: {  	v56 =	vadd.f32 $-4.084399340e-01, v55;
	v57 =	vld [tilespmem:s16+$0xFFFFFFB0]  }
0x80: {  	v4 =	vmul.f32 v4, v53;
	v58 =	vld [tilespmem:s16+$0x30]  }
0x81: {  	v6 =	vmax.f32 v1, $0.0e+00;
	v0 =	vmul.f32 v56, v7  }
0x82: {  	v4 =	vadd.f32 v4, v6  }
0x83: {  	v0 =	vadd.f32 $9.874607320e-01, v0  }
0x84: {  	v6 =	vsub.f32 $0.0e+00, v4;
	v1 =	vsub.f32 v1, v4  }
0x85: {  	v59 =	vand.u32 $0x7F, v57;
	v3 =	vshll.u32 v57, $0x1;
	v8 =	vshll.u32 v58, $0x1  }
0x86: {  	[tilespmem:s19+$0xFFFFFF90] =	vst v6;
	v5 =	vand.u32 $0x7F, v58;
	v3 =	vand.u32 $0xFFFFFF00, v3;
	v8 =	vand.u32 $0xFFFFFF00, v8  }
0x87: {  	v0 =	vmul.f32 v0, v7;
	[tilespmem:s19+$0x10] =	vst v1;
	v3 =	vor.u32 v59, v3;
	v60 =	vor.u32 v8, v5  }
0x88: {  	p6 =	seq.s32 s0, $0x1;
	v62 =	vmax.f32 v2, $0.0e+00;
	v63 =	vld [tilespmem:s18+$0xFFFFFFA0];
	v61 =	vor.u32 $0x80, v60  }
.Ltmp2:
0x89: {  	v0 =	vadd.f32 v0, v62;
	(pc) =	sbr.rel @p6 .LBB2_6-.Ltmp2, $4  }
0x8a: {  	_ = 	snop  }
0x8b: {  	v8 =	vld [tilespmem:s18+$0x20];
	v4 =	vsub.f32 $0.0e+00, v0  }
0x8c: {  	s22 =	simm.s32 $0x7A80;
	v9 =	vld.idx.msk [tilespmem:v3+s2+$0x0], $0xffff  }
0x8d: {  	s0 =	sadd.s32 $0xFFFFFFFF, s0;
	p2 =	por $0x1, $0x1;
	v10 =	vsub.f32 v2, v0;
	[tilespmem:s22+$0xFFFFFF80] =	vst v4;
	v12 =	vand.u32 $0x7F, v63;
	v13 =	vshll.u32 v63, $0x1;
	v11 =	vld.idx.msk [tilespmem:v61+s2+$0x0], $0xffff  }
0x8e: {  	_ =	sdelay $0x3  }
0x8f: {  	v0 =	vadd.f32 v11, v9  }
0x90: {  	v4 =	vand.u32 $0xFFFFFF00, v13;
	v2 =	vshll.u32 v8, $0x1  }
0x91: {  	v1 =	vand.u32 $0x7F, v8;
	v2 =	vand.u32 $0xFFFFFF00, v2;
	v3 =	vand.u32 $0x7FFFFFFF, v0  }
0x92: {  	v4 =	vor.u32 v12, v4;
	v1 =	vor.u32 v2, v1;
	v3 =	vsub.f32 $0.0e+00, v3  }
0x93: {  	[tilespmem:s22+$0x0] =	vst v10;
	v1 =	vor.u32 $0x80, v1  }
0x94: {  	v5 =	vld [tilespmem:s20+$0x10];
	v2 =	vmul.f32 $1.442695020e+00, v3;
	_ =	sdelay $0x1  }
0x95: {  	v3 =	vld [tilespmem:s20+$0xFFFFFF90];
	(erf) = vpow2.f32 v2  }
0x96: {  	v4 =	vld.idx.msk [tilespmem:v4+s2+$0x0], $0xffff  }
0x97: {  	s9 =	simm.s32 $0x5280;
	v1 =	vld.idx.msk [tilespmem:v1+s2+$0x0], $0xffff  }
0x98: {  	v8 =	vshll.u32 v5, $0x1;
	v2 =	vld [tilespmem:s9+$0xFFFFFF80]  }
0x99: {  	v6 =	vld [tilespmem:s9+$0x0];
	v5 =	vand.u32 $0x7F, v5;
	v8 =	vand.u32 $0xFFFFFF00, v8  }
0x9a: {  	v5 =	vor.u32 v8, v5;
	v7 =	vand.u32 $0x7F, v3;
	v3 =	vshll.u32 v3, $0x1  }
0x9b: {  	v5 =	vor.u32 $0x80, v5;
	v3 =	vand.u32 $0xFFFFFF00, v3  }
0x9c: {  	v1 =	vadd.f32 v1, v4;
	v3 =	vor.u32 v7, v3  }
0x9d: {  	v54 =	vand.u32 $0x7F, v2;
	v2 =	vshll.u32 v2, $0x1  }
0x9e: {  	v7 =	vand.u32 $0x7F, v6;
	v6 =	vshll.u32 v6, $0x1;
	v9 =	vand.u32 $0x7FFFFFFF, v1;
	v8 =	vpop (erf)  }
0x9f: {  	v2 =	vand.u32 $0xFFFFFF00, v2;
	v6 =	vand.u32 $0xFFFFFF00, v6;
	v10 =	vmul.f32 $1.146649720e-01, v8  }
0xa0: {  	v5 =	vld.idx.msk [tilespmem:v5+s2+$0x0], $0xffff;
	v9 =	vsub.f32 $0.0e+00, v9;
	v2 =	vor.u32 v54, v2;
	v55 =	vor.u32 v6, v7  }
0xa1: {  	v4 =	vor.u32 $0x80, v55;
	v3 =	vld.idx.msk [tilespmem:v3+s2+$0x0], $0xffff;
	v6 =	vadd.f32 $-4.084399340e-01, v10  }
0xa2: {  	v7 =	vmul.f32 $1.442695020e+00, v9  }
0xa3: {  	v6 =	vmul.f32 v6, v8  }
0xa4: {  	(erf) = vpow2.f32 v7  }
0xa5: {  	v2 =	vld.idx.msk [tilespmem:v2+s2+$0x0], $0xffff;
	v6 =	vadd.f32 $9.874607320e-01, v6  }
0xa6: {  	v4 =	vld.idx.msk [tilespmem:v4+s2+$0x0], $0xffff;
	v3 =	vadd.f32 v5, v3  }
0xa7: {  	v56 =	vmul.f32 v6, v8  }
0xa8: {  	v7 =	vand.u32 $0x7FFFFFFF, v3;
	v6 =	vmax.f32 v0, $0.0e+00  }
0xa9: {  	v5 =	vadd.f32 v56, v6;
	v6 =	vsub.f32 $0.0e+00, v7;
	_ =	sdelay $0x1  }
0xaa: {  	v2 =	vadd.f32 v4, v2;
	v7 =	vsub.f32 $0.0e+00, v5;
	v6 =	vmul.f32 $1.442695020e+00, v6  }
0xab: {  	v0 =	vsub.f32 v0, v5  }
0xac: {  	v57 =	vpop (erf);
	v58 =	vand.u32 $0x7FFFFFFF, v2;
	[tilespmem:s15+$0xFFFFFFB0] =	vst v7;
	(erf) = vpow2.f32 v6  }
0xad: {  	v6 =	vmul.f32 $1.146649720e-01, v57;
	[tilespmem:s15+$0x30] =	vst v0;
	v0 =	vsub.f32 $0.0e+00, v58  }
0xae: {  	v59 =	vld [tilespmem:s16+$0xFFFFFFC0]  }
0xaf: {  	v7 =	vld [tilespmem:s16+$0x40];
	v6 =	vadd.f32 $-4.084399340e-01, v6;
	v0 =	vmul.f32 $1.442695020e+00, v0;
	_ =	sdelay $0x1  }
0xb0: {  	v6 =	vmul.f32 v6, v57;
	(erf) = vpow2.f32 v0;
	_ =	sdelay $0x1  }
0xb1: {  	v0 =	vadd.f32 $9.874607320e-01, v6;
	v6 =	vand.u32 $0x7F, v59;
	v5 =	vshll.u32 v59, $0x1  }
0xb2: {  	v8 =	vshll.u32 v7, $0x1;
	v7 =	vand.u32 $0x7F, v7;
	v5 =	vand.u32 $0xFFFFFF00, v5  }
0xb3: {  	v8 =	vand.u32 $0xFFFFFF00, v8;
	v5 =	vor.u32 v6, v5;
	v0 =	vmul.f32 v0, v57;
	v9 =	vpop (erf)  }
0xb4: {  	v6 =	vor.u32 v8, v7;
	v7 =	vmax.f32 v1, $0.0e+00;
	v60 =	vmul.f32 $1.146649720e-01, v9  }
0xb5: {  	v6 =	vor.u32 $0x80, v6;
	v0 =	vadd.f32 v0, v7  }
0xb6: {  	v4 =	vadd.f32 $-4.084399340e-01, v60  }
0xb7: {  	v7 =	vsub.f32 $0.0e+00, v0  }
0xb8: {  	v0 =	vsub.f32 v1, v0;
	v8 =	vpop (erf);
	v4 =	vmul.f32 v4, v9  }
0xb9: {  	v5 =	vld.idx.msk [tilespmem:v5+s2+$0x0], $0xffff;
	v1 =	vmul.f32 $1.146649720e-01, v8;
	[tilespmem:s19+$0xFFFFFFA0] =	vst v7  }
0xba: {  	v6 =	vld.idx.msk [tilespmem:v6+s2+$0x0], $0xffff;
	[tilespmem:s19+$0x20] =	vst v0;
	v4 =	vadd.f32 $9.874607320e-01, v4  }
0xbb: {  	v7 =	vld [tilespmem:s18+$0x30];
	v0 =	vadd.f32 $-4.084399340e-01, v1  }
0xbc: {  	v1 =	vld [tilespmem:s18+$0xFFFFFFB0];
	v4 =	vmul.f32 v4, v9  }
0xbd: {  	v9 =	vmul.f32 v0, v8;
	v0 =	vmax.f32 v3, $0.0e+00  }
0xbe: {  	v4 =	vadd.f32 v4, v0  }
0xbf: {  	v0 =	vadd.f32 v6, v5  }
0xc0: {  	v61 =	vadd.f32 $9.874607320e-01, v9;
	v10 =	vshll.u32 v7, $0x1;
	v6 =	vsub.f32 $0.0e+00, v4  }
0xc1: {  	v62 =	vand.u32 $0x7F, v1;
	v1 =	vshll.u32 v1, $0x1;
	v3 =	vsub.f32 v3, v4  }
0xc2: {  	v7 =	vand.u32 $0x7F, v7;
	v10 =	vand.u32 $0xFFFFFF00, v10;
	v1 =	vand.u32 $0xFFFFFF00, v1;
	[tilespmem:s22+$0xFFFFFF90] =	vst v6  }
0xc3: {  	v63 =	vor.u32 v10, v7;
	v5 =	vmul.f32 v61, v8;
	v1 =	vor.u32 v62, v1;
	[tilespmem:s22+$0x10] =	vst v3  }
0xc4: {  	p6 =	seq.s32 s0, $0x1;
	v9 =	vand.u32 $0x7FFFFFFF, v0;
	v4 =	vor.u32 $0x80, v63;
	v6 =	vmax.f32 v2, $0.0e+00;
	v7 =	vld [tilespmem:s20+$0xFFFFFFA0]  }
.Ltmp3:
0xc5: {  	v3 =	vsub.f32 $0.0e+00, v9;
	v5 =	vadd.f32 v5, v6;
	(pc) =	sbr.rel @p6 .LBB2_8-.Ltmp3, $4  }
0xc6: {  	_ = 	snop  }
0xc7: {  	v8 =	vld [tilespmem:s20+$0x20];
	v3 =	vmul.f32 $1.442695020e+00, v3;
	v6 =	vsub.f32 $0.0e+00, v5  }
0xc8: {  	s24 =	simm.s32 $0x7B80;
	v10 =	vsub.f32 v2, v5;
	v9 =	vld.idx.msk [tilespmem:v1+s2+$0x0], $0xffff  }
0xc9: {  	s0 =	sadd.s32 $0xFFFFFFFF, s0;
	p3 =	por $0x1, $0x1;
	(erf) = vpow2.f32 v3;
	v11 =	vld.idx.msk [tilespmem:v4+s2+$0x0], $0xffff;
	[tilespmem:s24+$0xFFFFFF80] =	vst v6;
	v12 =	vand.u32 $0x7F, v7;
	v13 =	vshll.u32 v7, $0x1  }
0xca: {  	_ =	sdelay $0x7  }
0xcb: {  	v1 =	vpop (erf)  }
0xcc: {  	v2 =	vmul.f32 $1.146649720e-01, v1;
	_ =	sdelay $0x1  }
0xcd: {  	v3 =	vadd.f32 v11, v9;
	v2 =	vadd.f32 $-4.084399340e-01, v2  }
0xce: {  	v5 =	vand.u32 $0x7F, v8;
	v6 =	vshll.u32 v8, $0x1;
	v8 =	vand.u32 $0xFFFFFF00, v13  }
0xcf: {  	[tilespmem:s24+$0x0] =	vst v10;
	v6 =	vand.u32 $0xFFFFFF00, v6;
	v4 =	vand.u32 $0x7FFFFFFF, v3;
	v2 =	vmul.f32 v2, v1  }
0xd0: {  	v8 =	vor.u32 v12, v8;
	v5 =	vor.u32 v6, v5;
	v6 =	vld [tilespmem:s9+$0x10];
	v4 =	vsub.f32 $0.0e+00, v4  }
0xd1: {  	v5 =	vor.u32 $0x80, v5;
	v2 =	vadd.f32 $9.874607320e-01, v2  }
0xd2: {  	v4 =	vmul.f32 $1.442695020e+00, v4  }
0xd3: {  	v7 =	vld [tilespmem:s9+$0xFFFFFF90];
	v1 =	vmul.f32 v2, v1  }
0xd4: {  	(erf) = vpow2.f32 v4;
	v2 =	vmax.f32 v0, $0.0e+00  }
0xd5: {  	v8 =	vld.idx.msk [tilespmem:v8+s2+$0x0], $0xffff;
	v10 =	vshll.u32 v6, $0x1;
	v1 =	vadd.f32 v1, v2  }
0xd6: {  	s25 =	simm.s32 $0x5380;
	v6 =	vand.u32 $0x7F, v6;
	v10 =	vand.u32 $0xFFFFFF00, v10;
	v5 =	vld.idx.msk [tilespmem:v5+s2+$0x0], $0xffff  }
0xd7: {  	v4 =	vld [tilespmem:s25+$0xFFFFFF80];
	v6 =	vor.u32 v10, v6;
	v11 =	vsub.f32 $0.0e+00, v1  }
0xd8: {  	v9 =	vld [tilespmem:s25+$0x0];
	v2 =	vand.u32 $0x7F, v7;
	v7 =	vshll.u32 v7, $0x1;
	v1 =	vsub.f32 v0, v1  }
0xd9: {  	v6 =	vor.u32 $0x80, v6;
	v7 =	vand.u32 $0xFFFFFF00, v7;
	[tilespmem:s15+$0xFFFFFFC0] =	vst v11  }
0xda: {  	v2 =	vor.u32 v2, v7;
	[tilespmem:s15+$0x40] =	vst v1  }
0xdb: {  	v1 =	vld [tilespmem:s16+$0xFFFFFFD0]  }
0xdc: {  	v5 =	vadd.f32 v5, v8;
	v7 =	vand.u32 $0x7F, v4;
	v10 =	vld [tilespmem:s16+$0x50]  }
0xdd: {  	v8 =	vpop (erf);
	v4 =	vshll.u32 v4, $0x1;
	v11 =	vand.u32 $0x7F, v9;
	v9 =	vshll.u32 v9, $0x1  }
0xde: {  	v6 =	vld.idx.msk [tilespmem:v6+s2+$0x0], $0xffff;
	v12 =	vmul.f32 $1.146649720e-01, v8;
	v4 =	vand.u32 $0xFFFFFF00, v4;
	v9 =	vand.u32 $0xFFFFFF00, v9  }
0xdf: {  	v4 =	vor.u32 v7, v4;
	v7 =	vor.u32 v9, v11;
	v9 =	vand.u32 $0x7FFFFFFF, v5;
	v2 =	vld.idx.msk [tilespmem:v2+s2+$0x0], $0xffff  }
0xe0: {  	v11 =	vadd.f32 $-4.084399340e-01, v12;
	v9 =	vsub.f32 $0.0e+00, v9;
	v7 =	vor.u32 $0x80, v7  }
0xe1: {  	v12 =	vand.u32 $0x7F, v1;
	v1 =	vshll.u32 v1, $0x1;
	v13 =	vshll.u32 v10, $0x1  }
0xe2: {  	v10 =	vand.u32 $0x7F, v10;
	v1 =	vand.u32 $0xFFFFFF00, v1;
	v13 =	vand.u32 $0xFFFFFF00, v13  }
0xe3: {  	v9 =	vmul.f32 $1.442695020e+00, v9;
	v1 =	vor.u32 v12, v1;
	v10 =	vor.u32 v13, v10  }
0xe4: {  	v6 =	vadd.f32 v6, v2;
	v2 =	vmul.f32 v11, v8;
	v10 =	vor.u32 $0x80, v10  }
0xe5: {  	(erf) = vpow2.f32 v9  }
0xe6: {  	v4 =	vld.idx.msk [tilespmem:v4+s2+$0x0], $0xffff;
	v9 =	vand.u32 $0x7FFFFFFF, v6;
	v2 =	vadd.f32 $9.874607320e-01, v2  }
0xe7: {  	v7 =	vld.idx.msk [tilespmem:v7+s2+$0x0], $0xffff;
	v9 =	vsub.f32 $0.0e+00, v9  }
0xe8: {  	v2 =	vmul.f32 v2, v8;
	v1 =	vld.idx.msk [tilespmem:v1+s2+$0x0], $0xffff  }
0xe9: {  	v8 =	vmul.f32 $1.442695020e+00, v9;
	v9 =	vmax.f32 v3, $0.0e+00;
	v10 =	vld.idx.msk [tilespmem:v10+s2+$0x0], $0xffff  }
0xea: {  	v2 =	vadd.f32 v2, v9;
	_ =	sdelay $0x1  }
0xeb: {  	v7 =	vadd.f32 v7, v4;
	(erf) = vpow2.f32 v8;
	v8 =	vsub.f32 $0.0e+00, v2  }
0xec: {  	v2 =	vsub.f32 v3, v2  }
0xed: {  	v4 =	vand.u32 $0x7FFFFFFF, v7;
	v3 =	vpop (erf);
	[tilespmem:s19+$0xFFFFFFB0] =	vst v8;
	v1 =	vadd.f32 v10, v1  }
0xee: {  	v8 =	vmul.f32 $1.146649720e-01, v3;
	[tilespmem:s19+$0x30] =	vst v2;
	v2 =	vsub.f32 $0.0e+00, v4  }
0xef: {  	v10 =	vld [tilespmem:s18+$0x40];
	v9 =	vand.u32 $0x7FFFFFFF, v1  }
0xf0: {  	v4 =	vld [tilespmem:s18+$0xFFFFFFC0];
	v8 =	vadd.f32 $-4.084399340e-01, v8;
	v2 =	vmul.f32 $1.442695020e+00, v2;
	v9 =	vsub.f32 $0.0e+00, v9;
	_ =	sdelay $0x1  }
0xf1: {  	v8 =	vmul.f32 v8, v3;
	v9 =	vmul.f32 $1.442695020e+00, v9  }
0xf2: {  	(erf) = vpow2.f32 v2  }
0xf3: {  	v2 =	vpop (erf);
	v8 =	vadd.f32 $9.874607320e-01, v8;
	v12 =	vshll.u32 v10, $0x1;
	(erf) = vpow2.f32 v9  }
0xf4: {  	v10 =	vand.u32 $0x7F, v10;
	v9 =	vand.u32 $0x7F, v4;
	v4 =	vshll.u32 v4, $0x1  }
0xf5: {  	v11 =	vmul.f32 $1.146649720e-01, v2;
	v12 =	vand.u32 $0xFFFFFF00, v12;
	v4 =	vand.u32 $0xFFFFFF00, v4  }
0xf6: {  	v3 =	vmul.f32 v8, v3;
	v4 =	vor.u32 v9, v4;
	v9 =	vor.u32 v12, v10  }
0xf7: {  	v8 =	vor.u32 $0x80, v9;
	v9 =	vmax.f32 v5, $0.0e+00  }
0xf8: {  	v10 =	vadd.f32 $-4.084399340e-01, v11;
	v3 =	vadd.f32 v3, v9;
	_ =	sdelay $0x1  }
0xf9: {  	v9 =	vmul.f32 v10, v2;
	v10 =	vsub.f32 $0.0e+00, v3  }
0xfa: {  	v11 =	vpop (erf);
	v3 =	vsub.f32 v5, v3;
	v4 =	vld.idx.msk [tilespmem:v4+s2+$0x0], $0xffff  }
0xfb: {  	v5 =	vmul.f32 $1.146649720e-01, v11;
	v9 =	vadd.f32 $9.874607320e-01, v9;
	v8 =	vld.idx.msk [tilespmem:v8+s2+$0x0], $0xffff;
	[tilespmem:s22+$0xFFFFFFA0] =	vst v10;
	v12 =	vpop (erf)  }
0xfc: {  	[tilespmem:s22+$0x20] =	vst v3;
	v10 =	vmul.f32 $1.146649720e-01, v12  }
0xfd: {  	v3 =	vadd.f32 $-4.084399340e-01, v5;
	v2 =	vmul.f32 v9, v2;
	v5 =	vld [tilespmem:s20+$0xFFFFFFB0]  }
0xfe: {  	v9 =	vmax.f32 v6, $0.0e+00;
	v13 =	vld [tilespmem:s20+$0x30];
	v10 =	vadd.f32 $-4.084399340e-01, v10  }
0xff: {  	v3 =	vmul.f32 v3, v11;
	v9 =	vadd.f32 v2, v9  }
0x100: {  	v2 =	vadd.f32 v8, v4;
	v4 =	vmul.f32 v10, v12  }
0x101: {  	v3 =	vadd.f32 $9.874607320e-01, v3;
	v6 =	vsub.f32 v6, v9  }
0x102: {  	v8 =	vsub.f32 $0.0e+00, v9;
	v9 =	vand.u32 $0x7F, v5;
	v4 =	vadd.f32 $9.874607320e-01, v4  }
0x103: {  	v5 =	vshll.u32 v5, $0x1;
	v10 =	vand.u32 $0x7F, v13;
	v13 =	vshll.u32 v13, $0x1  }
0x104: {  	v5 =	vand.u32 $0xFFFFFF00, v5;
	v13 =	vand.u32 $0xFFFFFF00, v13;
	v4 =	vmul.f32 v4, v12  }
0x105: {  	v5 =	vor.u32 v9, v5;
	v9 =	vor.u32 v13, v10;
	v10 =	vmax.f32 v1, $0.0e+00  }
0x106: {  	[tilespmem:s24+$0x10] =	vst v6;
	v9 =	vor.u32 $0x80, v9;
	v4 =	vadd.f32 v4, v10  }
0x107: {  	v3 =	vmul.f32 v3, v11;
	[tilespmem:s24+$0xFFFFFF90] =	vst v8;
	v8 =	vand.u32 $0x7FFFFFFF, v2  }
0x108: {  	p6 =	seq.s32 s0, $0x1;
	v6 =	vsub.f32 $0.0e+00, v8;
	v8 =	vmax.f32 v7, $0.0e+00;
	v11 =	vld [tilespmem:s9+$0xFFFFFFA0];
	v10 =	vsub.f32 $0.0e+00, v4  }
.Ltmp4:
0x109: {  	v12 =	vadd.f32 v3, v8;
	v8 =	vld [tilespmem:s9+$0x20];
	v1 =	vsub.f32 v1, v4;
	(pc) =	sbr.rel @p6 .LBB2_10-.Ltmp4, $4  }
0x10a: {  	v6 =	vmul.f32 $1.442695020e+00, v6;
	v3 =	vld.idx.msk [tilespmem:v5+s2+$0x0], $0xffff;
	[tilespmem:s15+$0xFFFFFFD0] =	vst v10  }
0x10b: {  	v13 =	vsub.f32 $0.0e+00, v12;
	v4 =	vld.idx.msk [tilespmem:v9+s2+$0x0], $0xffff;
	[tilespmem:s15+$0x50] =	vst v1  }
0x10c: {  	s30 =	simm.s32 $0x7C80;
	(erf) = vpow2.f32 v6;
	v5 =	vld [tilespmem:s16+$0xFFFFFFE0]  }
0x10d: {  	s0 =	sadd.s32 $0xFFFFFFFF, s0;
	p4 =	por $0x1, $0x1;
	[tilespmem:s30+$0xFFFFFF80] =	vst v13;
	v13 =	vshll.u32 v11, $0x1;
	v10 =	vsub.f32 v7, v12;
	v12 =	vand.u32 $0x7F, v11;
	v6 =	vld [tilespmem:s16+$0x60]  }
0x10e: {  	_ =	sdelay $0x4  }
0x10f: {  	v7 =	vshll.u32 v8, $0x1;
	v8 =	vand.u32 $0x7F, v8;
	[tilespmem:s30+$0x0] =	vst v10;
	v10 =	vand.u32 $0xFFFFFF00, v13  }
0x110: {  	v7 =	vand.u32 $0xFFFFFF00, v7;
	v10 =	vor.u32 v12, v10;
	v12 =	vadd.f32 v4, v3  }
0x111: {  	v7 =	vor.u32 v7, v8;
	v14 =	vand.u32 $0x7F, v5;
	v15 =	vshll.u32 v5, $0x1;
	v1 =	vpop (erf)  }
0x112: {  	v11 =	vld [tilespmem:s25+$0xFFFFFF90];
	v7 =	vor.u32 $0x80, v7;
	v16 =	vshll.u32 v6, $0x1;
	v9 =	vmul.f32 $1.146649720e-01, v1  }
0x113: {  	v13 =	vld [tilespmem:s25+$0x10];
	v15 =	vand.u32 $0xFFFFFF00, v15;
	v17 =	vand.u32 $0x7F, v6;
	v16 =	vand.u32 $0xFFFFFF00, v16  }
0x114: {  	v8 =	vor.u32 v14, v15;
	v14 =	vor.u32 v16, v17;
	v9 =	vadd.f32 $-4.084399340e-01, v9  }
0x115: {  	s26 =	simm.s32 $0x5480;
	v15 =	vand.u32 $0x7FFFFFFF, v12;
	v14 =	vor.u32 $0x80, v14  }
0x116: {  	v18 =	vld [tilespmem:s26+$0x0];
	v15 =	vsub.f32 $0.0e+00, v15;
	v9 =	vmul.f32 v9, v1  }
0x117: {  	v16 =	vand.u32 $0x7F, v11;
	v11 =	vshll.u32 v11, $0x1;
	v10 =	vld.idx.msk [tilespmem:v10+s2+$0x0], $0xffff  }
0x118: {  	v19 =	vshll.u32 v13, $0x1;
	v15 =	vmul.f32 $1.442695020e+00, v15;
	v7 =	vld.idx.msk [tilespmem:v7+s2+$0x0], $0xffff;
	v9 =	vadd.f32 $9.874607320e-01, v9  }
0x119: {  	v13 =	vand.u32 $0x7F, v13;
	v19 =	vand.u32 $0xFFFFFF00, v19;
	v11 =	vand.u32 $0xFFFFFF00, v11;
	v8 =	vld.idx.msk [tilespmem:v8+s2+$0x0], $0xffff  }
0x11a: {  	v13 =	vor.u32 v19, v13;
	(erf) = vpow2.f32 v15;
	v14 =	vld.idx.msk [tilespmem:v14+s2+$0x0], $0xffff;
	v1 =	vmul.f32 v9, v1  }
0x11b: {  	v17 =	vld [tilespmem:s26+$0xFFFFFF80];
	v13 =	vor.u32 $0x80, v13;
	v9 =	vor.u32 v16, v11;
	v11 =	vmax.f32 v2, $0.0e+00  }
0x11c: {  	v1 =	vadd.f32 v1, v11;
	_ =	sdelay $0x1  }
0x11d: {  	v7 =	vadd.f32 v7, v10;
	v11 =	vsub.f32 $0.0e+00, v1  }
0x11e: {  	v10 =	vshll.u32 v18, $0x1;
	v8 =	vadd.f32 v14, v8;
	v1 =	vsub.f32 v2, v1  }
0x11f: {  	v15 =	vand.u32 $0x7F, v17;
	v10 =	vand.u32 $0xFFFFFF00, v10;
	v13 =	vld.idx.msk [tilespmem:v13+s2+$0x0], $0xffff;
	[tilespmem:s19+$0xFFFFFFC0] =	vst v11  }
0x120: {  	v14 =	vand.u32 $0x7F, v18;
	v16 =	vand.u32 $0x7FFFFFFF, v8;
	v9 =	vld.idx.msk [tilespmem:v9+s2+$0x0], $0xffff;
	v11 =	vshll.u32 v17, $0x1;
	[tilespmem:s19+$0x40] =	vst v1  }
0x121: {  	v10 =	vor.u32 v10, v14;
	v16 =	vsub.f32 $0.0e+00, v16;
	v1 =	vand.u32 $0xFFFFFF00, v11;
	v11 =	vld [tilespmem:s18+$0xFFFFFFD0]  }
0x122: {  	v10 =	vor.u32 $0x80, v10;
	v18 =	vld [tilespmem:s18+$0x50]  }
0x123: {  	v17 =	vand.u32 $0x7FFFFFFF, v7;
	v16 =	vmul.f32 $1.442695020e+00, v16;
	v1 =	vor.u32 v15, v1;
	v15 =	vpop (erf)  }
0x124: {  	v14 =	vsub.f32 $0.0e+00, v17;
	v17 =	vmul.f32 $1.146649720e-01, v15  }
0x125: {  	(erf) = vpow2.f32 v16  }
0x126: {  	v9 =	vadd.f32 v13, v9;
	v13 =	vmul.f32 $1.442695020e+00, v14;
	v14 =	vadd.f32 $-4.084399340e-01, v17  }
0x127: {  	v16 =	vand.u32 $0x7F, v11;
	v11 =	vshll.u32 v11, $0x1;
	v17 =	vshll.u32 v18, $0x1  }
0x128: {  	v10 =	vld.idx.msk [tilespmem:v10+s2+$0x0], $0xffff;
	v18 =	vand.u32 $0x7F, v18;
	v11 =	vand.u32 $0xFFFFFF00, v11;
	v17 =	vand.u32 $0xFFFFFF00, v17  }
0x129: {  	(erf) = vpow2.f32 v13;
	v1 =	vld.idx.msk [tilespmem:v1+s2+$0x0], $0xffff;
	v11 =	vor.u32 v16, v11;
	v16 =	vor.u32 v17, v18  }
0x12a: {  	v13 =	vand.u32 $0x7FFFFFFF, v9;
	v14 =	vmul.f32 v14, v15;
	v16 =	vor.u32 $0x80, v16  }
0x12b: {  	v13 =	vsub.f32 $0.0e+00, v13  }
0x12c: {  	v14 =	vadd.f32 $9.874607320e-01, v14  }
0x12d: {  	v13 =	vmul.f32 $1.442695020e+00, v13  }
0x12e: {  	v14 =	vmul.f32 v14, v15;
	v10 =	vadd.f32 v10, v1;
	v11 =	vld.idx.msk [tilespmem:v11+s2+$0x0], $0xffff  }
0x12f: {  	(erf) = vpow2.f32 v13;
	v15 =	vpop (erf);
	v1 =	vmax.f32 v12, $0.0e+00;
	v13 =	vld.idx.msk [tilespmem:v16+s2+$0x0], $0xffff  }
0x130: {  	v1 =	vadd.f32 v14, v1;
	v14 =	vand.u32 $0x7FFFFFFF, v10;
	v16 =	vmul.f32 $1.146649720e-01, v15  }
0x131: {  	v14 =	vsub.f32 $0.0e+00, v14  }
0x132: {  	v17 =	vsub.f32 $0.0e+00, v1;
	v18 =	vpop (erf);
	v16 =	vadd.f32 $-4.084399340e-01, v16  }
0x133: {  	v1 =	vsub.f32 v12, v1;
	v12 =	vmul.f32 $1.146649720e-01, v18  }
0x134: {  	[tilespmem:s22+$0xFFFFFFB0] =	vst v17;
	v14 =	vmul.f32 $1.442695020e+00, v14;
	v11 =	vadd.f32 v13, v11;
	v13 =	vmul.f32 v16, v15  }
0x135: {  	[tilespmem:s22+$0x30] =	vst v1;
	v1 =	vadd.f32 $-4.084399340e-01, v12  }
0x136: {  	v12 =	vld [tilespmem:s20+$0xFFFFFFC0];
	(erf) = vpow2.f32 v14;
	v14 =	vand.u32 $0x7FFFFFFF, v11;
	v13 =	vadd.f32 $9.874607320e-01, v13  }
0x137: {  	v16 =	vld [tilespmem:s20+$0x40];
	v14 =	vsub.f32 $0.0e+00, v14  }
0x138: {  	v1 =	vmul.f32 v1, v18;
	v13 =	vmul.f32 v13, v15  }
0x139: {  	v17 =	vmax.f32 v8, $0.0e+00;
	v15 =	vpop (erf);
	v14 =	vmul.f32 $1.442695020e+00, v14  }
0x13a: {  	v1 =	vadd.f32 $9.874607320e-01, v1;
	v19 =	vmul.f32 $1.146649720e-01, v15;
	v13 =	vadd.f32 v13, v17  }
0x13b: {  	v17 =	vand.u32 $0x7F, v12;
	v12 =	vshll.u32 v12, $0x1;
	(erf) = vpow2.f32 v14  }
0x13c: {  	v14 =	vand.u32 $0x7F, v16;
	v16 =	vshll.u32 v16, $0x1;
	v20 =	vsub.f32 $0.0e+00, v13  }
0x13d: {  	v12 =	vand.u32 $0xFFFFFF00, v12;
	v16 =	vand.u32 $0xFFFFFF00, v16;
	v8 =	vsub.f32 v8, v13  }
0x13e: {  	v12 =	vor.u32 v17, v12;
	v13 =	vor.u32 v16, v14;
	[tilespmem:s15+$0xFFFFFFE0] =	vst v20  }
0x13f: {  	v1 =	vmul.f32 v1, v18;
	v16 =	vadd.f32 $-4.084399340e-01, v19;
	v13 =	vor.u32 $0x80, v13;
	[tilespmem:s15+$0x60] =	vst v8  }
0x140: {  	v17 =	vmax.f32 v7, $0.0e+00;
	v18 =	vld [tilespmem:s16+$0xFFFFFFF0]  }
0x141: {  	v1 =	vadd.f32 v1, v17;
	v16 =	vmul.f32 v16, v15;
	v17 =	vld [tilespmem:s16+$0x70];
	_ =	sdelay $0x1  }
0x142: {  	v19 =	vsub.f32 $0.0e+00, v1;
	v12 =	vld.idx.msk [tilespmem:v12+s2+$0x0], $0xffff;
	v16 =	vadd.f32 $9.874607320e-01, v16  }
0x143: {  	v1 =	vsub.f32 v7, v1;
	v13 =	vld.idx.msk [tilespmem:v13+s2+$0x0], $0xffff  }
0x144: {  	[tilespmem:s24+$0xFFFFFFA0] =	vst v19;
	v15 =	vmul.f32 v16, v15  }
0x145: {  	[tilespmem:s24+$0x20] =	vst v1;
	v1 =	vand.u32 $0x7F, v18;
	v18 =	vshll.u32 v18, $0x1;
	v19 =	vshll.u32 v17, $0x1  }
0x146: {  	v17 =	vand.u32 $0x7F, v17;
	v18 =	vand.u32 $0xFFFFFF00, v18;
	v19 =	vand.u32 $0xFFFFFF00, v19  }
0x147: {  	v7 =	vmax.f32 v9, $0.0e+00;
	v1 =	vor.u32 v1, v18;
	v17 =	vor.u32 v19, v17  }
0x148: {  	v14 =	vpop (erf);
	v15 =	vadd.f32 v15, v7;
	v7 =	vadd.f32 v13, v12;
	v12 =	vor.u32 $0x80, v17  }
0x149: {  	v8 =	vmul.f32 $1.146649720e-01, v14;
	v62 =	vpop (erf)  }
0x14a: {  	v21 =	vld [tilespmem:s9+$0xFFFFFFB0];
	v16 =	vmul.f32 $1.146649720e-01, v62  }
0x14b: {  	v8 =	vadd.f32 $-4.084399340e-01, v8;
	v18 =	vld [tilespmem:s9+$0x30]  }
0x14c: {  	v16 =	vadd.f32 $-4.084399340e-01, v16;
	v1 =	vld.idx.msk [tilespmem:v1+s2+$0x0], $0xffff  }
0x14d: {  	v8 =	vmul.f32 v8, v14;
	v12 =	vld.idx.msk [tilespmem:v12+s2+$0x0], $0xffff  }
0x14e: {  	v13 =	vmul.f32 v16, v62;
	v16 =	vsub.f32 $0.0e+00, v15  }
0x14f: {  	v8 =	vadd.f32 $9.874607320e-01, v8;
	v19 =	vshll.u32 v21, $0x1;
	v17 =	vand.u32 $0x7FFFFFFF, v7  }
0x150: {  	v9 =	vsub.f32 v9, v15;
	v19 =	vand.u32 $0xFFFFFF00, v19;
	[tilespmem:s30+$0xFFFFFF90] =	vst v16;
	v16 =	vsub.f32 $0.0e+00, v17  }
0x151: {  	v15 =	vand.u32 $0x7F, v21;
	v13 =	vadd.f32 $9.874607320e-01, v13;
	v63 =	vand.u32 $0x7F, v18  }
0x152: {  	v18 =	vshll.u32 v18, $0x1;
	v1 =	vadd.f32 v12, v1;
	v12 =	vmul.f32 $1.442695020e+00, v16  }
0x153: {  	v15 =	vor.u32 v15, v19;
	v18 =	vand.u32 $0xFFFFFF00, v18;
	v13 =	vmul.f32 v13, v62  }
0x154: {  	v19 =	vmax.f32 v11, $0.0e+00;
	v18 =	vor.u32 v18, v63;
	(erf) = vpow2.f32 v12  }
0x155: {  	v8 =	vmul.f32 v8, v14;
	v14 =	vor.u32 $0x80, v18;
	v13 =	vadd.f32 v13, v19  }
0x156: {  	[tilespmem:s30+$0x10] =	vst v9  }
0x157: {  	p6 =	seq.s32 s0, $0x1;
	v17 =	vmax.f32 v10, $0.0e+00;
	v18 =	vld [tilespmem:s25+$0xFFFFFFA0];
	v19 =	vsub.f32 $0.0e+00, v13  }
.Ltmp5:
0x158: {  	v17 =	vadd.f32 v8, v17;
	v8 =	vld [tilespmem:s25+$0x20];
	v13 =	vsub.f32 v11, v13;
	(pc) =	sbr.rel @p6 .LBB2_12-.Ltmp5, $4  }
0x159: {  	v9 =	vld.idx.msk [tilespmem:v15+s2+$0x0], $0xffff;
	[tilespmem:s19+$0xFFFFFFD0] =	vst v19  }
0x15a: {  	s21 =	simm.s32 $0x7D80;
	s1 =	sadd.s32 $0xFFFFFFFF, s0;
	p5 =	por $0x1, $0x1;
	v16 =	vsub.f32 $0.0e+00, v17;
	v11 =	vld.idx.msk [tilespmem:v14+s2+$0x0], $0xffff;
	[tilespmem:s19+$0x50] =	vst v13;
	v13 =	vand.u32 $0x7FFFFFFF, v1  }
0x15b: {  	s29 =	simm.s32 $0x7A80;
	s28 =	simm.s32 $0x5180;
	s23 =	simm.s32 $0x7880;
	v10 =	vsub.f32 v10, v17;
	v15 =	vld [tilespmem:s18+$0xFFFFFFE0];
	v14 =	vsub.f32 $0.0e+00, v13  }
0x15c: {  	s31 =	simm.s32 $0x7980;
	s0 =	simm.s32 $0x5080;
	s17 =	simm.s32 $0x5480;
	[tilespmem:s21+$0xFFFFFF80] =	vst v16;
	v12 =	vand.u32 $0x7F, v18;
	v16 =	vld [tilespmem:s18+$0x60];
	v13 =	vshll.u32 v18, $0x1  }
.LBB2_13:
0x15d: {  	p6 =	seq.s32 s1, $0x1;
	[tilespmem:s21+$0x0] =	vst v10;
	v10 =	vand.u32 $0x7F, v8;
	v8 =	vshll.u32 v8, $0x1;
	v17 =	vpop (erf);
	v14 =	vmul.f32 $1.442695020e+00, v14  }
0x15e: {  	v13 =	vand.u32 $0xFFFFFF00, v13;
	v18 =	vld [tilespmem:s26+$0xFFFFFF90];
	v8 =	vand.u32 $0xFFFFFF00, v8;
	v19 =	vmul.f32 $1.146649720e-01, v17  }
0x15f: {  	v12 =	vor.u32 v12, v13;
	v8 =	vor.u32 v8, v10;
	(erf) = vpow2.f32 v14  }
0x160: {  	v9 =	vadd.f32 v11, v9;
	v10 =	vld [tilespmem:s26+$0x10];
	v8 =	vor.u32 $0x80, v8;
	v11 =	vadd.f32 $-4.084399340e-01, v19  }
0x161: {  	v13 =	vand.u32 $0x7F, v15;
	v14 =	vshll.u32 v15, $0x1;
	v15 =	vshll.u32 v16, $0x1  }
0x162: {  	v14 =	vand.u32 $0xFFFFFF00, v14;
	v16 =	vand.u32 $0x7F, v16;
	v15 =	vand.u32 $0xFFFFFF00, v15  }
0x163: {  	s26 =	sadd.s32 $0x100, s26;
	v13 =	vor.u32 v13, v14;
	v19 =	vand.u32 $0x7F, v18;
	v14 =	vor.u32 v15, v16  }
0x164: {  	v11 =	vmul.f32 v11, v17;
	v16 =	vand.u32 $0x7FFFFFFF, v9;
	v15 =	vld [tilespmem:s26+$0xFFFFFF80];
	v14 =	vor.u32 $0x80, v14  }
0x165: {  	v18 =	vshll.u32 v18, $0x1;
	v16 =	vsub.f32 $0.0e+00, v16;
	v20 =	vld [tilespmem:s26+$0x0];
	v21 =	vshll.u32 v10, $0x1  }
0x166: {  	v11 =	vadd.f32 $9.874607320e-01, v11;
	v10 =	vand.u32 $0x7F, v10;
	v21 =	vand.u32 $0xFFFFFF00, v21;
	v12 =	vld.idx.msk [tilespmem:v12+s2+$0x0], $0xffff  }
0x167: {  	v18 =	vand.u32 $0xFFFFFF00, v18;
	v16 =	vmul.f32 $1.442695020e+00, v16;
	v10 =	vor.u32 v21, v10;
	v8 =	vld.idx.msk [tilespmem:v8+s2+$0x0], $0xffff  }
0x168: {  	v18 =	vor.u32 v19, v18;
	v11 =	vmul.f32 v11, v17;
	v10 =	vor.u32 $0x80, v10;
	v13 =	vld.idx.msk [tilespmem:v13+s2+$0x0], $0xffff;
	v17 =	vpop (erf)  }
0x169: {  	(erf) = vpow2.f32 v16;
	v16 =	vmax.f32 v7, $0.0e+00;
	v14 =	vld.idx.msk [tilespmem:v14+s2+$0x0], $0xffff;
	v19 =	vmul.f32 $1.146649720e-01, v17  }
0x16a: {  	v11 =	vadd.f32 v11, v16  }
0x16b: {  	v16 =	vadd.f32 $-4.084399340e-01, v19  }
0x16c: {  	v19 =	vand.u32 $0x7F, v15;
	v15 =	vshll.u32 v15, $0x1;
	v21 =	vsub.f32 $0.0e+00, v11  }
0x16d: {  	v22 =	vand.u32 $0x7F, v20;
	v11 =	vsub.f32 v7, v11;
	v18 =	vld.idx.msk [tilespmem:v18+s2+$0x0], $0xffff;
	v16 =	vmul.f32 v16, v17  }
0x16e: {  	v20 =	vshll.u32 v20, $0x1;
	v15 =	vand.u32 $0xFFFFFF00, v15;
	v7 =	vadd.f32 v8, v12;
	v10 =	vld.idx.msk [tilespmem:v10+s2+$0x0], $0xffff;
	[tilespmem:s29+$0xFFFFFFC0] =	vst v21  }
0x16f: {  	v8 =	vand.u32 $0xFFFFFF00, v20;
	[tilespmem:s29+$0x40] =	vst v11;
	v11 =	vadd.f32 v14, v13;
	v12 =	vadd.f32 $9.874607320e-01, v16  }
0x170: {  	v8 =	vor.u32 v8, v22;
	v13 =	vor.u32 v19, v15;
	v14 =	vld [tilespmem:s28+$0xFFFFFFD0]  }
0x171: {  	v15 =	vand.u32 $0x7FFFFFFF, v7;
	v16 =	vld [tilespmem:s28+$0x50];
	v19 =	vand.u32 $0x7FFFFFFF, v11;
	v12 =	vmul.f32 v12, v17  }
0x172: {  	v20 =	vmax.f32 v1, $0.0e+00;
	v15 =	vsub.f32 $0.0e+00, v15;
	v17 =	vpop (erf);
	v19 =	vsub.f32 $0.0e+00, v19  }
0x173: {  	v21 =	vor.u32 $0x80, v8;
	v22 =	vmul.f32 $1.146649720e-01, v17;
	v12 =	vadd.f32 v12, v20  }
0x174: {  	v8 =	vadd.f32 v10, v18;
	v10 =	vmul.f32 $1.442695020e+00, v15;
	v15 =	vmul.f32 $1.442695020e+00, v19  }
0x175: {  	v18 =	vadd.f32 $-4.084399340e-01, v22;
	v19 =	vand.u32 $0x7F, v14;
	v1 =	vsub.f32 v1, v12  }
0x176: {  	v14 =	vshll.u32 v14, $0x1;
	v20 =	vshll.u32 v16, $0x1;
	(erf) = vpow2.f32 v15  }
0x177: {  	v14 =	vand.u32 $0xFFFFFF00, v14;
	v15 =	vand.u32 $0x7F, v16;
	v13 =	vld.idx.msk [tilespmem:v13+s2+$0x0], $0xffff;
	v16 =	vand.u32 $0xFFFFFF00, v20;
	[tilespmem:s23+$0x70] =	vst v1  }
0x178: {  	v20 =	vand.u32 $0x7FFFFFFF, v8;
	v14 =	vor.u32 v19, v14;
	v1 =	vld.idx.msk [tilespmem:v21+s2+$0x0], $0xffff;
	v15 =	vor.u32 v16, v15  }
0x179: {  	(erf) = vpow2.f32 v10;
	v10 =	vmul.f32 v18, v17;
	v15 =	vor.u32 $0x80, v15  }
0x17a: {  	v12 =	vsub.f32 $0.0e+00, v12;
	v16 =	vsub.f32 $0.0e+00, v20  }
0x17b: {  	v10 =	vadd.f32 $9.874607320e-01, v10  }
0x17c: {  	v16 =	vmul.f32 $1.442695020e+00, v16;
	[tilespmem:s23+$0xFFFFFFF0] =	vst v12;
	s23 =	smov.u32 s31;
	s31 =	smov.u32 s29;
	s29 =	smov.u32 s24  }
0x17d: {  	s24 =	smov.u32 s30;
	s30 =	smov.u32 s21;
	v17 =	vmul.f32 v10, v17;
	v14 =	vld.idx.msk [tilespmem:v14+s2+$0x0], $0xffff  }
0x17e: {  	v10 =	vadd.f32 v1, v13;
	v1 =	vmax.f32 v9, $0.0e+00;
	(erf) = vpow2.f32 v16;
	v13 =	vld.idx.msk [tilespmem:v15+s2+$0x0], $0xffff  }
0x17f: {  	v1 =	vadd.f32 v17, v1;
	v12 =	vpop (erf)  }
0x180: {  	v15 =	vand.u32 $0x7FFFFFFF, v10;
	v16 =	vmul.f32 $1.146649720e-01, v12  }
0x181: {  	v15 =	vsub.f32 $0.0e+00, v15;
	v17 =	vsub.f32 $0.0e+00, v1  }
0x182: {  	v1 =	vsub.f32 v9, v1;
	v18 =	vpop (erf);
	v9 =	vadd.f32 $-4.084399340e-01, v16  }
0x183: {  	v16 =	vmul.f32 $1.146649720e-01, v18;
	[tilespmem:s29+$0xFFFFFFB0] =	vst v17  }
0x184: {  	v15 =	vmul.f32 $1.442695020e+00, v15;
	[tilespmem:s29+$0x30] =	vst v1;
	v1 =	vadd.f32 v13, v14;
	v9 =	vmul.f32 v9, v12  }
0x185: {  	v13 =	vadd.f32 $-4.084399340e-01, v16;
	v14 =	vld [tilespmem:s9+$0xFFFFFFC0]  }
0x186: {  	(erf) = vpow2.f32 v15;
	v15 =	vld [tilespmem:s9+$0x40];
	v16 =	vand.u32 $0x7FFFFFFF, v1;
	v9 =	vadd.f32 $9.874607320e-01, v9  }
0x187: {  	v17 =	vpop (erf);
	v13 =	vmul.f32 v13, v18;
	v16 =	vsub.f32 $0.0e+00, v16  }
0x188: {  	v19 =	vmul.f32 $1.146649720e-01, v17;
	v9 =	vmul.f32 v9, v12  }
0x189: {  	v12 =	vadd.f32 $9.874607320e-01, v13;
	v13 =	vmul.f32 $1.442695020e+00, v16;
	v16 =	vmax.f32 v11, $0.0e+00  }
0x18a: {  	v20 =	vand.u32 $0x7F, v14;
	v14 =	vshll.u32 v14, $0x1;
	v9 =	vadd.f32 v9, v16  }
0x18b: {  	v16 =	vand.u32 $0x7F, v15;
	v15 =	vshll.u32 v15, $0x1;
	(erf) = vpow2.f32 v13  }
0x18c: {  	v13 =	vand.u32 $0xFFFFFF00, v14;
	v14 =	vand.u32 $0xFFFFFF00, v15;
	v15 =	vsub.f32 $0.0e+00, v9  }
0x18d: {  	v13 =	vor.u32 v20, v13;
	v9 =	vsub.f32 v11, v9;
	v16 =	vor.u32 v14, v16  }
0x18e: {  	v11 =	vor.u32 $0x80, v16;
	[tilespmem:s23+$0xFFFFFFE0] =	vst v15  }
0x18f: {  	v12 =	vmul.f32 v12, v18;
	v15 =	vadd.f32 $-4.084399340e-01, v19;
	v14 =	vpop (erf);
	[tilespmem:s23+$0x60] =	vst v9  }
0x190: {  	v16 =	vmax.f32 v7, $0.0e+00;
	v9 =	vmul.f32 $1.146649720e-01, v14;
	v18 =	vld [tilespmem:s0+$0xFFFFFFF0]  }
0x191: {  	v20 =	vadd.f32 v12, v16;
	v15 =	vmul.f32 v15, v17;
	v16 =	vld [tilespmem:s0+$0x70];
	s0 =	smov.u32 s28;
	s28 =	smov.u32 s9;
	s9 =	smov.u32 s25  }
0x192: {  	s25 =	smov.u32 s17;
	s17 =	smov.u32 s26;
	v9 =	vadd.f32 $-4.084399340e-01, v9;
	v13 =	vld.idx.msk [tilespmem:v13+s2+$0x0], $0xffff  }
0x193: {  	v19 =	vsub.f32 $0.0e+00, v20;
	v15 =	vadd.f32 $9.874607320e-01, v15;
	v11 =	vld.idx.msk [tilespmem:v11+s2+$0x0], $0xffff  }
0x194: {  	v7 =	vsub.f32 v7, v20;
	v9 =	vmul.f32 v9, v14;
	v12 =	vpop (erf)  }
0x195: {  	v20 =	vmax.f32 v8, $0.0e+00;
	v15 =	vmul.f32 v15, v17;
	[tilespmem:s24+$0xFFFFFFA0] =	vst v19;
	v17 =	vmul.f32 $1.146649720e-01, v12  }
0x196: {  	[tilespmem:s24+$0x20] =	vst v7;
	v7 =	vand.u32 $0x7F, v18;
	v18 =	vshll.u32 v18, $0x1;
	v19 =	vshll.u32 v16, $0x1  }
0x197: {  	v16 =	vand.u32 $0x7F, v16;
	v21 =	vld [tilespmem:s9+$0xFFFFFFB0];
	v18 =	vand.u32 $0xFFFFFF00, v18;
	v19 =	vand.u32 $0xFFFFFF00, v19  }
0x198: {  	v15 =	vadd.f32 v15, v20;
	v20 =	vld [tilespmem:s9+$0x30];
	v18 =	vor.u32 v7, v18;
	v16 =	vor.u32 v19, v16  }
0x199: {  	v7 =	vadd.f32 v11, v13;
	v11 =	vadd.f32 $-4.084399340e-01, v17;
	v13 =	vor.u32 $0x80, v16  }
0x19a: {  	v9 =	vadd.f32 $9.874607320e-01, v9  }
0x19b: {  	v16 =	vsub.f32 $0.0e+00, v15;
	v17 =	vand.u32 $0x7FFFFFFF, v7;
	v11 =	vmul.f32 v11, v12  }
0x19c: {  	v8 =	vsub.f32 v8, v15;
	v17 =	vsub.f32 $0.0e+00, v17;
	v15 =	vand.u32 $0x7F, v21  }
0x19d: {  	v19 =	vshll.u32 v21, $0x1;
	v11 =	vadd.f32 $9.874607320e-01, v11;
	v21 =	vand.u32 $0x7F, v20;
	v18 =	vld.idx.msk [tilespmem:v18+s2+$0x0], $0xffff  }
0x19e: {  	v19 =	vand.u32 $0xFFFFFF00, v19;
	v20 =	vshll.u32 v20, $0x1;
	v17 =	vmul.f32 $1.442695020e+00, v17;
	v13 =	vld.idx.msk [tilespmem:v13+s2+$0x0], $0xffff  }
0x19f: {  	v15 =	vor.u32 v15, v19;
	v19 =	vand.u32 $0xFFFFFF00, v20;
	v11 =	vmul.f32 v11, v12  }
0x1a0: {  	v12 =	vor.u32 v19, v21;
	(erf) = vpow2.f32 v17;
	v17 =	vmax.f32 v1, $0.0e+00  }
0x1a1: {  	v9 =	vmul.f32 v9, v14;
	v12 =	vor.u32 $0x80, v12;
	[tilespmem:s21+$0xFFFFFF90] =	vst v16;
	v11 =	vadd.f32 v11, v17  }
0x1a2: {  	v14 =	vmax.f32 v10, $0.0e+00;
	[tilespmem:s21+$0x10] =	vst v8  }
0x1a3: {  	v14 =	vadd.f32 v9, v14;
	v16 =	vld [tilespmem:s25+$0xFFFFFFA0];
	v17 =	vsub.f32 $0.0e+00, v11  }
.Ltmp6:
0x1a4: {  	v19 =	vsub.f32 v1, v11;
	v1 =	vadd.f32 v13, v18;
	v8 =	vld [tilespmem:s25+$0x20];
	(pc) =	sbr.rel @!p6 .LBB2_13-.Ltmp6, $4  }
0x1a5: {  	v9 =	vld.idx.msk [tilespmem:v15+s2+$0x0], $0xffff;
	[tilespmem:s31+$0xFFFFFFD0] =	vst v17  }
0x1a6: {  	v13 =	vsub.f32 $0.0e+00, v14;
	v11 =	vld.idx.msk [tilespmem:v12+s2+$0x0], $0xffff;
	[tilespmem:s31+$0x50] =	vst v19;
	v12 =	vand.u32 $0x7FFFFFFF, v1  }
0x1a7: {  	v10 =	vsub.f32 v10, v14;
	s21 =	sadd.s32 $0x100, s21;
	v15 =	vld [tilespmem:s0+$0xFFFFFFE0];
	v14 =	vsub.f32 $0.0e+00, v12  }
0x1a8: {  	s1 =	sadd.s32 $0xFFFFFFFF, s1;
	[tilespmem:s21+$0xFFFFFF80] =	vst v13;
	v12 =	vand.u32 $0x7F, v16;
	v13 =	vshll.u32 v16, $0x1;
	v16 =	vld [tilespmem:s0+$0x60]  }
0x1a9: {  	s12 =	smov.u32 s24  }
0x1aa: {  	s1 =	smov.u32 s9;
	s24 =	smov.u32 s30;
	s9 =	smov.u32 s17  }
.LBB2_15:
0x1ab: {  	v17 =	vpop @p3 (erf)  }
0x1ac: {  	v18 =	vmul.f32 @p3 $1.146649720e-01, v17;
	_ =	sdelay $0x1  }
0x1ad: {  	v18 =	vadd.f32 @p3 $-4.084399340e-01, v18;
	_ =	sdelay $0x1  }
0x1ae: {  	v18 =	vmul.f32 @p3 v18, v17;
	_ =	sdelay $0x1  }
0x1af: {  	v18 =	vadd.f32 @p3 $9.874607320e-01, v18  }
0x1b0: {  	[tilespmem:s21+$0x0] =	vst v10  }
0x1b1: {  	v19 =	vld [tilespmem:s26+$0x10];
	v17 =	vmul.f32 @p3 v18, v17  }
0x1b2: {  	v26 =	vld [tilespmem:s26+$0xFFFFFF90];
	v18 =	vmax.f32 @p3 v7, $0.0e+00  }
0x1b3: {  	v17 =	vadd.f32 @p3 v17, v18;
	_ =	sdelay $0x1  }
0x1b4: {  	v13 =	vand.u32 @p1 $0xFFFFFF00, v13;
	v9 =	vadd.f32 @p2 v11, v9;
	v10 =	vsub.f32 @p3 $0.0e+00, v17  }
0x1b5: {  	v12 =	vor.u32 @p1 v12, v13;
	v13 =	vshll.u32 @p4 v15, $0x1;
	v7 =	vsub.f32 @p3 v7, v17  }
0x1b6: {  	v27 =	vshll.u32 v19, $0x1;
	v28 =	vshll.u32 v26, $0x1;
	v18 =	vshll.u32 @p1 v8, $0x1;
	[tilespmem:s29+$0xFFFFFFC0] =	vst @p3 v10  }
0x1b7: {  	v8 =	vand.u32 @p1 $0x7F, v8;
	v10 =	vand.u32 @p4 $0x7F, v15;
	v15 =	vshll.u32 @p4 v16, $0x1;
	[tilespmem:s29+$0x40] =	vst @p3 v7  }
0x1b8: {  	v7 =	vand.u32 @p4 $0xFFFFFF00, v13;
	v13 =	vand.u32 @p4 $0x7F, v16;
	v15 =	vand.u32 @p4 $0xFFFFFF00, v15;
	v16 =	vld @p3 [tilespmem:s28+$0xFFFFFFD0]  }
0x1b9: {  	v18 =	vand.u32 @p1 $0xFFFFFF00, v18;
	v7 =	vor.u32 @p4 v10, v7;
	v10 =	vor.u32 @p4 v15, v13;
	v13 =	vld @p3 [tilespmem:s28+$0x50]  }
0x1ba: {  	v19 =	vand.u32 $0x7F, v19;
	v8 =	vor.u32 @p1 v18, v8;
	v10 =	vor.u32 @p4 $0x80, v10  }
0x1bb: {  	v17 =	vand.u32 $0x7F, v26;
	v18 =	vand.u32 $0xFFFFFF00, v28;
	v15 =	vand.u32 $0xFFFFFF00, v27  }
0x1bc: {  	v8 =	vor.u32 @p1 $0x80, v8;
	v29 =	vor.u32 v17, v18;
	v15 =	vor.u32 v15, v19  }
0x1bd: {  	v15 =	vor.u32 $0x80, v15;
	v17 =	vand.u32 @p3 $0x7F, v16;
	v16 =	vshll.u32 @p3 v16, $0x1  }
0x1be: {  	v7 =	vld.idx.msk @p4 [tilespmem:v7+s2+$0x0], $0xffff;
	v18 =	vshll.u32 @p3 v13, $0x1;
	v16 =	vand.u32 @p3 $0xFFFFFF00, v16;
	v13 =	vand.u32 @p3 $0x7F, v13  }
0x1bf: {  	v10 =	vld.idx.msk @p4 [tilespmem:v10+s2+$0x0], $0xffff;
	v18 =	vand.u32 @p3 $0xFFFFFF00, v18;
	v16 =	vor.u32 @p3 v17, v16;
	v17 =	vand.u32 @p2 $0x7FFFFFFF, v9  }
0x1c0: {  	v12 =	vld.idx.msk @p1 [tilespmem:v12+s2+$0x0], $0xffff;
	v13 =	vor.u32 @p3 v18, v13;
	v17 =	vsub.f32 @p2 $0.0e+00, v17  }
0x1c1: {  	v14 =	vmul.f32 @p5 $1.442695020e+00, v14;
	v8 =	vld.idx.msk @p1 [tilespmem:v8+s2+$0x0], $0xffff;
	v13 =	vor.u32 @p3 $0x80, v13  }
0x1c2: {  	v11 =	vld.idx.msk [tilespmem:v29+s2+$0x0], $0xffff;
	v17 =	vmul.f32 @p2 $1.442695020e+00, v17  }
0x1c3: {  	(erf) = vpow2.f32 @p5 v14;
	v15 =	vld.idx.msk [tilespmem:v15+s2+$0x0], $0xffff  }
0x1c4: {  	v10 =	vadd.f32 @p4 v10, v7;
	(erf) = vpow2.f32 @p2 v17  }
0x1c5: {  	v7 =	vld.idx.msk @p3 [tilespmem:v16+s2+$0x0], $0xffff  }
0x1c6: {  	v14 =	vand.u32 @p4 $0x7FFFFFFF, v10;
	v13 =	vld.idx.msk @p3 [tilespmem:v13+s2+$0x0], $0xffff  }
0x1c7: {  	v14 =	vsub.f32 @p4 $0.0e+00, v14  }
0x1c8: {  	v8 =	vadd.f32 @p1 v8, v12;
	v11 =	vadd.f32 v15, v11  }
0x1c9: {  	v12 =	vmul.f32 @p4 $1.442695020e+00, v14  }
0x1ca: {  	v30 =	vand.u32 $0x7FFFFFFF, v11;
	v14 =	vand.u32 @p1 $0x7FFFFFFF, v8  }
0x1cb: {  	v14 =	vsub.f32 @p1 $0.0e+00, v14;
	(erf) = vpow2.f32 @p4 v12;
	v12 =	vadd.f32 @p3 v13, v7  }
0x1cc: {  	v31 =	vsub.f32 $0.0e+00, v30;
	v7 =	vpop @p5 (erf)  }
0x1cd: {  	v13 =	vmul.f32 @p1 $1.442695020e+00, v14;
	v15 =	vand.u32 @p3 $0x7FFFFFFF, v12;
	v16 =	vpop @p2 (erf)  }
0x1ce: {  	v32 =	vmul.f32 $1.442695020e+00, v31;
	v15 =	vsub.f32 @p3 $0.0e+00, v15;
	v14 =	vmul.f32 @p2 $1.146649720e-01, v16  }
0x1cf: {  	(erf) = vpow2.f32 @p1 v13  }
0x1d0: {  	(erf) = vpow2.f32 v32;
	v15 =	vmul.f32 @p3 $1.442695020e+00, v15;
	v13 =	vadd.f32 @p2 $-4.084399340e-01, v14;
	_ =	sdelay $0x1  }
0x1d1: {  	(erf) = vpow2.f32 @p3 v15;
	v13 =	vmul.f32 @p2 v13, v16;
	_ =	sdelay $0x1  }
0x1d2: {  	v14 =	vpop @p4 (erf);
	v13 =	vadd.f32 @p2 $9.874607320e-01, v13  }
0x1d3: {  	v15 =	vmul.f32 @p4 $1.146649720e-01, v14  }
0x1d4: {  	v13 =	vmul.f32 @p2 v13, v16  }
0x1d5: {  	v17 =	vmax.f32 @p2 v9, $0.0e+00;
	v15 =	vadd.f32 @p4 $-4.084399340e-01, v15  }
0x1d6: {  	v16 =	vpop @p1 (erf);
	v13 =	vadd.f32 @p2 v13, v17  }
0x1d7: {  	v18 =	vmul.f32 @p1 $1.146649720e-01, v16;
	v33 =	vpop (erf);
	v15 =	vmul.f32 @p4 v15, v14  }
0x1d8: {  	v34 =	vmul.f32 $1.146649720e-01, v33;
	v9 =	vsub.f32 @p2 v9, v13  }
0x1d9: {  	v18 =	vadd.f32 @p1 $-4.084399340e-01, v18;
	v15 =	vadd.f32 @p4 $9.874607320e-01, v15;
	v19 =	vpop @p3 (erf)  }
0x1da: {  	v20 =	vmul.f32 @p3 $1.146649720e-01, v19;
	[tilespmem:s12+$0x30] =	vst @p2 v9;
	v9 =	vadd.f32 $-4.084399340e-01, v34  }
0x1db: {  	v18 =	vmul.f32 @p1 v18, v16;
	v14 =	vmul.f32 @p4 v15, v14;
	v15 =	vsub.f32 @p2 $0.0e+00, v13  }
0x1dc: {  	v13 =	vmax.f32 @p4 v10, $0.0e+00;
	v20 =	vadd.f32 @p3 $-4.084399340e-01, v20;
	v9 =	vmul.f32 v9, v33  }
0x1dd: {  	[tilespmem:s12+$0xFFFFFFB0] =	vst @p2 v15;
	v15 =	vadd.f32 @p1 $9.874607320e-01, v18;
	v13 =	vadd.f32 @p4 v14, v13  }
0x1de: {  	v14 =	vmul.f32 @p3 v20, v19;
	v9 =	vadd.f32 $9.874607320e-01, v9  }
0x1df: {  	v20 =	vsub.f32 @p4 $0.0e+00, v13;
	v10 =	vsub.f32 @p4 v10, v13;
	v13 =	vmul.f32 @p1 v15, v16  }
0x1e0: {  	v16 =	vmax.f32 @p1 v8, $0.0e+00  }
0x1e1: {  	s26 =	smov.u32 @p4 s31;
	v18 =	vld @p2 [tilespmem:s1+$0xFFFFFFC0];
	v14 =	vadd.f32 @p3 $9.874607320e-01, v14;
	v9 =	vmul.f32 v9, v33;
	v13 =	vadd.f32 @p1 v13, v16  }
0x1e2: {  	v35 =	vmax.f32 v11, $0.0e+00;
	v15 =	vld @p2 [tilespmem:s1+$0x40];
	[tilespmem:s26+$0xFFFFFFE0] =	vst @p4 v20  }
0x1e3: {  	[tilespmem:s26+$0x60] =	vst @p4 v10;
	v10 =	vmul.f32 @p3 v14, v19;
	v9 =	vadd.f32 v9, v35;
	v16 =	vsub.f32 @p1 $0.0e+00, v13  }
0x1e4: {  	s17 =	smov.u32 @p1 s24;
	v14 =	vld @p4 [tilespmem:s0+$0xFFFFFFF0];
	v8 =	vsub.f32 @p1 v8, v13;
	v13 =	vmax.f32 @p3 v12, $0.0e+00  }
0x1e5: {  	v10 =	vadd.f32 @p3 v10, v13;
	v13 =	vld @p4 [tilespmem:s0+$0x70];
	v36 =	vsub.f32 $0.0e+00, v9;
	[tilespmem:s17+$0xFFFFFFA0] =	vst @p1 v16  }
0x1e6: {  	v19 =	vand.u32 @p2 $0x7F, v18;
	v18 =	vshll.u32 @p2 v18, $0x1;
	v9 =	vsub.f32 v11, v9;
	[tilespmem:s17+$0x20] =	vst @p1 v8  }
0x1e7: {  	s0 =	smov.u32 @p1 s25;
	v16 =	vand.u32 @p2 $0x7F, v15;
	v15 =	vshll.u32 @p2 v15, $0x1;
	v8 =	vsub.f32 @p3 $0.0e+00, v10;
	[tilespmem:s21+$0xFFFFFF90] =	vst v36  }
0x1e8: {  	v18 =	vand.u32 @p2 $0xFFFFFF00, v18;
	s25 =	smov.u32 @p3 s29;
	v15 =	vand.u32 @p2 $0xFFFFFF00, v15;
	v10 =	vsub.f32 @p3 v12, v10;
	v12 =	vld @p1 [tilespmem:s0+$0xFFFFFFB0];
	[tilespmem:s21+$0x10] =	vst v9  }
0x1e9: {  	v18 =	vor.u32 @p2 v19, v18;
	v15 =	vor.u32 @p2 v15, v16;
	v16 =	vld @p1 [tilespmem:s0+$0x30];
	[tilespmem:s25+$0xFFFFFFD0] =	vst @p3 v8  }
0x1ea: {  	s24 =	smov.u32 @p3 s28;
	v38 =	vld [tilespmem:s9+$0x20];
	v8 =	vand.u32 @p4 $0x7F, v14;
	v14 =	vshll.u32 @p4 v14, $0x1;
	[tilespmem:s25+$0x50] =	vst @p3 v10;
	v17 =	vshll.u32 @p4 v13, $0x1  }
0x1eb: {  	v10 =	vand.u32 @p4 $0x7F, v13;
	v19 =	vld @p3 [tilespmem:s24+$0xFFFFFFE0];
	v14 =	vand.u32 @p4 $0xFFFFFF00, v14;
	v13 =	vand.u32 @p4 $0xFFFFFF00, v17  }
0x1ec: {  	v11 =	vld @p3 [tilespmem:s24+$0x60];
	v8 =	vor.u32 @p4 v8, v14;
	v10 =	vor.u32 @p4 v13, v10  }
0x1ed: {  	v13 =	vor.u32 @p2 $0x80, v15;
	v14 =	vand.u32 @p1 $0x7F, v12;
	v12 =	vshll.u32 @p1 v12, $0x1  }
0x1ee: {  	v10 =	vor.u32 @p4 $0x80, v10;
	v15 =	vshll.u32 @p1 v16, $0x1;
	v9 =	vand.u32 @p1 $0x7F, v16  }
0x1ef: {  	v12 =	vand.u32 @p1 $0xFFFFFF00, v12;
	v41 =	vshll.u32 v38, $0x1;
	v15 =	vand.u32 @p1 $0xFFFFFF00, v15  }
0x1f0: {  	v37 =	vld [tilespmem:s9+$0xFFFFFFA0];
	v12 =	vor.u32 @p1 v14, v12;
	v14 =	vand.u32 $0x7F, v38;
	v16 =	vand.u32 $0xFFFFFF00, v41  }
0x1f1: {  	v9 =	vor.u32 @p1 v15, v9;
	v5 =	vpsel p3, v19, v5;
	v6 =	vpsel p3, v11, v6  }
0x1f2: {  	v15 =	vld.idx.msk @p2 [tilespmem:v18+s2+$0x0], $0xffff;
	v14 =	vor.u32 v16, v14;
	v9 =	vor.u32 @p1 $0x80, v9;
	v17 =	vshll.u32 @p3 v6, $0x1  }
0x1f3: {  	v6 =	vand.u32 @p3 $0x7F, v6;
	v11 =	vld.idx.msk @p2 [tilespmem:v13+s2+$0x0], $0xffff;
	v13 =	vand.u32 @p3 $0x7F, v5;
	v5 =	vshll.u32 @p3 v5, $0x1  }
0x1f4: {  	v8 =	vld.idx.msk @p4 [tilespmem:v8+s2+$0x0], $0xffff;
	v14 =	vor.u32 $0x80, v14;
	v17 =	vand.u32 @p3 $0xFFFFFF00, v17;
	v5 =	vand.u32 @p3 $0xFFFFFF00, v5  }
0x1f5: {  	v40 =	vshll.u32 v37, $0x1;
	v10 =	vld.idx.msk @p4 [tilespmem:v10+s2+$0x0], $0xffff;
	v6 =	vor.u32 @p3 v17, v6;
	v5 =	vor.u32 @p3 v13, v5  }
0x1f6: {  	v39 =	vand.u32 $0x7F, v37;
	v12 =	vld.idx.msk @p1 [tilespmem:v12+s2+$0x0], $0xffff;
	v6 =	vor.u32 @p3 $0x80, v6;
	v13 =	vand.u32 $0xFFFFFF00, v40  }
0x1f7: {  	v13 =	vor.u32 v39, v13;
	v9 =	vld.idx.msk @p1 [tilespmem:v9+s2+$0x0], $0xffff  }
0x1f8: {  	v11 =	vadd.f32 @p2 v11, v15  }
0x1f9: {  	v43 =	vld.idx.msk [tilespmem:v14+s2+$0x0], $0xffff  }
0x1fa: {  	v15 =	vand.u32 @p2 $0x7FFFFFFF, v11;
	v16 =	vld.idx.msk @p3 [tilespmem:v5+s2+$0x0], $0xffff  }
0x1fb: {  	v5 =	vadd.f32 @p4 v10, v8;
	v6 =	vld.idx.msk @p3 [tilespmem:v6+s2+$0x0], $0xffff;
	v15 =	vsub.f32 @p2 $0.0e+00, v15  }
0x1fc: {  	v3 =	vpsel p1, v12, v3;
	v42 =	vld.idx.msk [tilespmem:v13+s2+$0x0], $0xffff;
	v4 =	vpsel p1, v9, v4  }
0x1fd: {  	v9 =	vand.u32 @p4 $0x7FFFFFFF, v5;
	v8 =	vmul.f32 @p2 $1.442695020e+00, v15;
	v4 =	vadd.f32 @p1 v4, v3  }
0x1fe: {  	v9 =	vsub.f32 @p4 $0.0e+00, v9  }
0x1ff: {  	(erf) = vpow2.f32 @p2 v8;
	v8 =	vand.u32 @p1 $0x7FFFFFFF, v4  }
0x200: {  	v9 =	vpsel p4, v9, v0;
	v6 =	vadd.f32 @p3 v6, v16;
	v8 =	vsub.f32 @p1 $0.0e+00, v8  }
0x201: {  	v9 =	vmul.f32 @p4 $1.442695020e+00, v9;
	v44 =	vadd.f32 v43, v42  }
0x202: {  	v12 =	vand.u32 @p3 $0x7FFFFFFF, v6;
	v8 =	vmul.f32 @p1 $1.442695020e+00, v8  }
0x203: {  	(erf) = vpow2.f32 @p4 v9;
	v3 =	vsub.f32 @p3 $0.0e+00, v12;
	v45 =	vand.u32 $0x7FFFFFFF, v44  }
0x204: {  	(erf) = vpow2.f32 @p1 v8;
	v8 =	vsub.f32 $0.0e+00, v45  }
0x205: {  	v3 =	vmul.f32 @p3 $1.442695020e+00, v3;
	_ =	sdelay $0x1  }
0x206: {  	(erf) = vpow2.f32 @p3 v3  }
0x207: {  	v46 =	vmul.f32 $1.442695020e+00, v8;
	v8 =	vpop @p2 (erf)  }
0x208: {  	v10 =	vmul.f32 @p2 $1.146649720e-01, v8  }
0x209: {  	(erf) = vpow2.f32 v46  }
0x20a: {  	v10 =	vadd.f32 @p2 $-4.084399340e-01, v10  }
0x20b: {  	v3 =	vpop @p4 (erf)  }
0x20c: {  	v12 =	vpop @p1 (erf);
	v10 =	vmul.f32 @p2 v10, v8  }
0x20d: {  	v13 =	vmul.f32 @p1 $1.146649720e-01, v12  }
0x20e: {  	v10 =	vadd.f32 @p2 $9.874607320e-01, v10  }
0x20f: {  	v14 =	vpop @p3 (erf);
	v13 =	vadd.f32 @p1 $-4.084399340e-01, v13  }
0x210: {  	v2 =	vpsel p2, v11, v2;
	v15 =	vmul.f32 @p3 $1.146649720e-01, v14;
	v8 =	vmul.f32 @p2 v10, v8  }
0x211: {  	v11 =	vmax.f32 @p2 v2, $0.0e+00;
	v10 =	vmul.f32 @p1 v13, v12  }
0x212: {  	v47 =	vpop (erf);
	v15 =	vadd.f32 @p3 $-4.084399340e-01, v15;
	v8 =	vadd.f32 @p2 v8, v11  }
0x213: {  	v48 =	vmul.f32 $1.146649720e-01, v47;
	v10 =	vadd.f32 @p1 $9.874607320e-01, v10  }
0x214: {  	v15 =	vmul.f32 @p3 v15, v14;
	v16 =	vsub.f32 @p2 $0.0e+00, v8  }
0x215: {  	s19 =	smov.u32 @p2 s12;
	v11 =	vadd.f32 $-4.084399340e-01, v48;
	v2 =	vsub.f32 @p2 v2, v8;
	v10 =	vmul.f32 @p1 v10, v12  }
0x216: {  	v8 =	vmax.f32 @p1 v4, $0.0e+00;
	v12 =	vadd.f32 @p3 $9.874607320e-01, v15;
	[tilespmem:s19+$0xFFFFFFC0] =	vst @p2 v16  }
0x217: {  	s18 =	smov.u32 @p2 s1;
	v49 =	vmul.f32 v11, v47;
	[tilespmem:s19+$0x40] =	vst @p2 v2;
	v8 =	vadd.f32 @p1 v10, v8  }
0x218: {  	v2 =	vmul.f32 @p3 v12, v14;
	v15 =	vld @p2 [tilespmem:s18+$0x50]  }
0x219: {  	s22 =	smov.u32 @p1 s17;
	v11 =	vld @p2 [tilespmem:s18+$0xFFFFFFD0];
	v10 =	vadd.f32 $9.874607320e-01, v49;
	v14 =	vmax.f32 @p3 v6, $0.0e+00;
	v12 =	vsub.f32 @p1 $0.0e+00, v8  }
0x21a: {  	s1 =	smov.u32 @p1 s22;
	v4 =	vsub.f32 @p1 v4, v8;
	v2 =	vadd.f32 @p3 v2, v14  }
0x21b: {  	s12 =	smov.u32 s15;
	v50 =	vmul.f32 v10, v47;
	[tilespmem:s1+$0xFFFFFFB0] =	vst @p1 v12  }
0x21c: {  	s12 =	smov.u32 @p3 s25;
	s20 =	smov.u32 @p1 s0;
	v51 =	vmax.f32 v44, $0.0e+00;
	[tilespmem:s1+$0x30] =	vst @p1 v4;
	v4 =	vsub.f32 @p3 $0.0e+00, v2  }
0x21d: {  	s0 =	smov.u32 @p3 s12;
	v2 =	vsub.f32 @p3 v6, v2;
	v52 =	vadd.f32 v50, v51;
	v12 =	vld @p1 [tilespmem:s20+$0xFFFFFFC0];
	v10 =	vshll.u32 @p2 v15, $0x1  }
0x21e: {  	s12 =	smov.u32 s16;
	v8 =	vld @p1 [tilespmem:s20+$0x40];
	v13 =	vand.u32 @p2 $0x7F, v15;
	v9 =	vand.u32 @p2 $0x7F, v11;
	[tilespmem:s0+$0xFFFFFFE0] =	vst @p3 v4;
	v4 =	vshll.u32 @p2 v11, $0x1  }
0x21f: {  	s12 =	smov.u32 @p3 s24;
	[tilespmem:s0+$0x60] =	vst @p3 v2;
	v53 =	vsub.f32 $0.0e+00, v52;
	v10 =	vand.u32 @p2 $0xFFFFFF00, v10;
	v4 =	vand.u32 @p2 $0xFFFFFF00, v4  }
0x220: {  	v6 =	vsub.f32 v44, v52;
	v14 =	vld @p3 [tilespmem:s12+$0x70];
	v10 =	vor.u32 @p2 v10, v13;
	v2 =	vor.u32 @p2 v9, v4  }
0x221: {  	v11 =	vld @p3 [tilespmem:s12+$0xFFFFFFF0];
	[tilespmem:s21+$0xFFFFFFA0] =	vst v53;
	v4 =	vor.u32 @p2 $0x80, v10  }
0x222: {  	[tilespmem:s21+$0x20] =	vst v6  }
0x223: {  	v54 =	vld [tilespmem:s9+$0xFFFFFFB0];
	v6 =	vand.u32 @p1 $0x7F, v12;
	v9 =	vshll.u32 @p1 v12, $0x1;
	v10 =	vshll.u32 @p1 v8, $0x1  }
0x224: {  	v55 =	vld [tilespmem:s9+$0x30];
	v8 =	vand.u32 @p1 $0x7F, v8;
	v9 =	vand.u32 @p1 $0xFFFFFF00, v9;
	v10 =	vand.u32 @p1 $0xFFFFFF00, v10  }
0x225: {  	v6 =	vor.u32 @p1 v6, v9;
	v8 =	vor.u32 @p1 v10, v8;
	v9 =	vshll.u32 @p3 v14, $0x1;
	v2 =	vld.idx.msk @p2 [tilespmem:v2+s2+$0x0], $0xffff  }
0x226: {  	v10 =	vshll.u32 @p3 v11, $0x1;
	v14 =	vand.u32 @p3 $0x7F, v14;
	v4 =	vld.idx.msk @p2 [tilespmem:v4+s2+$0x0], $0xffff;
	v8 =	vor.u32 @p1 $0x80, v8  }
0x227: {  	v11 =	vand.u32 @p3 $0x7F, v11;
	v9 =	vand.u32 @p3 $0xFFFFFF00, v9;
	v10 =	vand.u32 @p3 $0xFFFFFF00, v10  }
0x228: {  	v9 =	vor.u32 @p3 v9, v14;
	v10 =	vor.u32 @p3 v11, v10  }
0x229: {  	v56 =	vand.u32 $0x7F, v54;
	v57 =	vshll.u32 v55, $0x1;
	v9 =	vor.u32 @p3 $0x80, v9  }
0x22a: {  	v12 =	vshll.u32 v54, $0x1;
	v13 =	vand.u32 $0x7F, v55;
	v14 =	vand.u32 $0xFFFFFF00, v57;
	v6 =	vld.idx.msk @p1 [tilespmem:v6+s2+$0x0], $0xffff  }
0x22b: {  	v12 =	vand.u32 $0xFFFFFF00, v12;
	v58 =	vor.u32 v14, v13;
	v13 =	vadd.f32 @p2 v4, v2;
	v2 =	vld.idx.msk @p1 [tilespmem:v8+s2+$0x0], $0xffff  }
0x22c: {  	v11 =	vor.u32 v56, v12  }
0x22d: {  	v12 =	vor.u32 $0x80, v58;
	v4 =	vld.idx.msk @p3 [tilespmem:v10+s2+$0x0], $0xffff;
	v8 =	vand.u32 @p2 $0x7FFFFFFF, v13  }
0x22e: {  	v9 =	vld.idx.msk @p3 [tilespmem:v9+s2+$0x0], $0xffff;
	v8 =	vsub.f32 @p2 $0.0e+00, v8;
	_ =	sdelay $0x1  }
0x22f: {  	v8 =	vmul.f32 @p2 $1.442695020e+00, v8;
	v6 =	vadd.f32 @p1 v2, v6  }
0x230: {  	v59 =	vld.idx.msk [tilespmem:v11+s2+$0x0], $0xffff  }
0x231: {  	v60 =	vld.idx.msk [tilespmem:v12+s2+$0x0], $0xffff;
	(erf) = vpow2.f32 @p2 v8;
	v8 =	vand.u32 @p1 $0x7FFFFFFF, v6  }
0x232: {  	v2 =	vadd.f32 @p3 v9, v4;
	v4 =	vsub.f32 @p1 $0.0e+00, v8;
	_ =	sdelay $0x1  }
0x233: {  	v4 =	vmul.f32 @p1 $1.442695020e+00, v4;
	_ =	sdelay $0x1  }
0x234: {  	v8 =	vand.u32 @p3 $0x7FFFFFFF, v2;
	v61 =	vadd.f32 v60, v59;
	(erf) = vpow2.f32 @p1 v4  }
0x235: {  	v8 =	vsub.f32 @p3 $0.0e+00, v8  }
0x236: {  	v10 =	vand.u32 $0x7FFFFFFF, v61  }
0x237: {  	v4 =	vpsel p3, v8, v0;
	v62 =	vsub.f32 $0.0e+00, v10  }
0x238: {  	v4 =	vmul.f32 @p3 $1.442695020e+00, v4  }
0x239: {  	v8 =	vmul.f32 $1.442695020e+00, v62  }
0x23a: {  	(erf) = vpow2.f32 @p3 v4;
	v10 =	vpop @p2 (erf)  }
0x23b: {  	(erf) = vpow2.f32 v8;
	v4 =	vmul.f32 @p2 $1.146649720e-01, v10;
	_ =	sdelay $0x1  }
0x23c: {  	v4 =	vadd.f32 @p2 $-4.084399340e-01, v4;
	v8 =	vpop @p1 (erf)  }
0x23d: {  	v11 =	vmul.f32 @p1 $1.146649720e-01, v8  }
0x23e: {  	v4 =	vmul.f32 @p2 v4, v10  }
0x23f: {  	v11 =	vadd.f32 @p1 $-4.084399340e-01, v11;
	_ =	sdelay $0x1  }
0x240: {  	v12 =	vadd.f32 @p2 $9.874607320e-01, v4;
	v11 =	vmul.f32 @p1 v11, v8  }
0x241: {  	v4 =	vpop @p3 (erf)  }
0x242: {  	v10 =	vmul.f32 @p2 v12, v10;
	v63 =	vpop (erf);
	v11 =	vadd.f32 @p1 $9.874607320e-01, v11  }
0x243: {  	v14 =	vmax.f32 @p2 v13, $0.0e+00;
	v18 =	vmul.f32 $1.146649720e-01, v63  }
0x244: {  	v0 =	vpsel p1, v6, v0;
	v10 =	vadd.f32 @p2 v10, v14;
	v6 =	vmul.f32 @p1 v11, v8  }
0x245: {  	v19 =	vadd.f32 $-4.084399340e-01, v18;
	v11 =	vmax.f32 @p1 v0, $0.0e+00  }
0x246: {  	v15 =	vsub.f32 @p2 $0.0e+00, v10;
	v6 =	vadd.f32 @p1 v6, v11  }
0x247: {  	s17 =	smov.u32 @p2 s19;
	v10 =	vsub.f32 @p2 v13, v10;
	v20 =	vmul.f32 v19, v63  }
0x248: {  	[tilespmem:s17+$0xFFFFFFD0] =	vst @p2 v15;
	v11 =	vsub.f32 @p1 $0.0e+00, v6  }
0x249: {  	s15 =	smov.u32 @p1 s1;
	s12 =	smov.u32 @p2 s18;
	[tilespmem:s17+$0x50] =	vst @p2 v10;
	v8 =	vadd.f32 $9.874607320e-01, v20;
	v0 =	vsub.f32 @p1 v0, v6  }
0x24a: {  	s1 =	smov.u32 @p1 s20;
	v10 =	vld @p2 [tilespmem:s12+$0x60];
	[tilespmem:s15+$0xFFFFFFC0] =	vst @p1 v11  }
0x24b: {  	s16 =	smov.u32 @p1 s1;
	v12 =	vld @p2 [tilespmem:s12+$0xFFFFFFE0];
	v8 =	vmul.f32 v8, v63;
	[tilespmem:s15+$0x40] =	vst @p1 v0  }
0x24c: {  	v21 =	vmax.f32 v61, $0.0e+00;
	v0 =	vld @p1 [tilespmem:s16+$0xFFFFFFD0]  }
0x24d: {  	v6 =	vadd.f32 v8, v21;
	_ =	sdelay $0x1  }
0x24e: {  	v11 =	vld @p1 [tilespmem:s16+$0x50];
	v8 =	vsub.f32 $0.0e+00, v6  }
0x24f: {  	v6 =	vsub.f32 v61, v6  }
0x250: {  	[tilespmem:s21+$0xFFFFFFB0] =	vst v8;
	v10 =	vpsel p2, v10, v0;
	v9 =	vpsel p2, v12, v0  }
0x251: {  	[tilespmem:s21+$0x30] =	vst v6;
	v12 =	vshll.u32 @p2 v10, $0x1;
	v8 =	vshll.u32 @p2 v9, $0x1;
	v10 =	vand.u32 @p2 $0x7F, v10  }
0x252: {  	v22 =	vld [tilespmem:s9+$0xFFFFFFC0];
	v6 =	vand.u32 @p2 $0x7F, v9;
	v12 =	vand.u32 @p2 $0xFFFFFF00, v12;
	v8 =	vand.u32 @p2 $0xFFFFFF00, v8  }
0x253: {  	v23 =	vld [tilespmem:s9+$0x40];
	v13 =	vshll.u32 @p1 v11, $0x1;
	v9 =	vor.u32 @p2 v12, v10;
	v6 =	vor.u32 @p2 v6, v8  }
0x254: {  	v11 =	vand.u32 @p1 $0x7F, v11;
	v13 =	vand.u32 @p1 $0xFFFFFF00, v13;
	v8 =	vor.u32 @p2 $0x80, v9  }
0x255: {  	v11 =	vor.u32 @p1 v13, v11;
	v12 =	vand.u32 @p1 $0x7F, v0;
	v0 =	vshll.u32 @p1 v0, $0x1  }
0x256: {  	v11 =	vor.u32 @p1 $0x80, v11;
	v0 =	vand.u32 @p1 $0xFFFFFF00, v0  }
0x257: {  	v0 =	vor.u32 @p1 v12, v0  }
0x258: {  	v24 =	vand.u32 $0x7F, v22;
	v10 =	vshll.u32 v22, $0x1;
	v25 =	vshll.u32 v23, $0x1;
	v6 =	vld.idx.msk @p2 [tilespmem:v6+s2+$0x0], $0xffff  }
0x259: {  	v9 =	vand.u32 $0x7F, v23;
	v10 =	vand.u32 $0xFFFFFF00, v10;
	v13 =	vand.u32 $0xFFFFFF00, v25;
	v8 =	vld.idx.msk @p2 [tilespmem:v8+s2+$0x0], $0xffff  }
0x25a: {  	v10 =	vor.u32 v24, v10;
	v9 =	vor.u32 v13, v9  }
0x25b: {  	v9 =	vor.u32 $0x80, v9;
	v11 =	vld.idx.msk @p1 [tilespmem:v11+s2+$0x0], $0xffff  }
0x25c: {  	v0 =	vld.idx.msk @p1 [tilespmem:v0+s2+$0x0], $0xffff;
	_ =	sdelay $0x1  }
0x25d: {  	v6 =	vadd.f32 @p2 v8, v6  }
0x25e: {  	v26 =	vld.idx.msk [tilespmem:v10+s2+$0x0], $0xffff  }
0x25f: {  	v9 =	vld.idx.msk [tilespmem:v9+s2+$0x0], $0xffff;
	v10 =	vand.u32 @p2 $0x7FFFFFFF, v6  }
0x260: {  	v0 =	vadd.f32 @p1 v11, v0;
	v10 =	vsub.f32 @p2 $0.0e+00, v10;
	_ =	sdelay $0x1  }
0x261: {  	v11 =	vand.u32 @p1 $0x7FFFFFFF, v0;
	v10 =	vmul.f32 @p2 $1.442695020e+00, v10  }
0x262: {  	v11 =	vsub.f32 @p1 $0.0e+00, v11  }
0x263: {  	v8 =	vadd.f32 v9, v26;
	(erf) = vpow2.f32 @p2 v10  }
0x264: {  	v9 =	vmul.f32 @p1 $1.442695020e+00, v11  }
0x265: {  	v27 =	vand.u32 $0x7FFFFFFF, v8  }
0x266: {  	v28 =	vsub.f32 $0.0e+00, v27;
	(erf) = vpow2.f32 @p1 v9;
	_ =	sdelay $0x1  }
0x267: {  	v9 =	vmul.f32 $1.442695020e+00, v28;
	_ =	sdelay $0x1  }
0x268: {  	(erf) = vpow2.f32 v9;
	_ =	sdelay $0x1  }
0x269: {  	v9 =	vpop @p2 (erf)  }
0x26a: {  	v10 =	vmul.f32 @p2 $1.146649720e-01, v9;
	_ =	sdelay $0x1  }
0x26b: {  	v11 =	vpop @p1 (erf);
	v10 =	vadd.f32 @p2 $-4.084399340e-01, v10  }
0x26c: {  	v12 =	vmul.f32 @p1 $1.146649720e-01, v11  }
0x26d: {  	v10 =	vmul.f32 @p2 v10, v9  }
0x26e: {  	v12 =	vadd.f32 @p1 $-4.084399340e-01, v12  }
0x26f: {  	v29 =	vpop (erf);
	v10 =	vadd.f32 @p2 $9.874607320e-01, v10  }
0x270: {  	v30 =	vmul.f32 $1.146649720e-01, v29;
	v12 =	vmul.f32 @p1 v12, v11  }
0x271: {  	v9 =	vmul.f32 @p2 v10, v9  }
0x272: {  	v14 =	vadd.f32 $-4.084399340e-01, v30;
	v12 =	vadd.f32 @p1 $9.874607320e-01, v12;
	v10 =	vmax.f32 @p2 v6, $0.0e+00  }
0x273: {  	v9 =	vadd.f32 @p2 v9, v10  }
0x274: {  	v31 =	vmul.f32 v14, v29;
	v10 =	vmul.f32 @p1 v12, v11  }
0x275: {  	v12 =	vsub.f32 @p2 $0.0e+00, v9;
	v6 =	vsub.f32 @p2 v6, v9;
	v9 =	vmax.f32 @p1 v0, $0.0e+00  }
0x276: {  	s1 =	smov.u32 @p2 s17;
	v32 =	vadd.f32 $9.874607320e-01, v31;
	v9 =	vadd.f32 @p1 v10, v9  }
0x277: {  	[tilespmem:s1+$0xFFFFFFE0] =	vst @p2 v12  }
0x278: {  	s17 =	smov.u32 @p2 s12;
	v10 =	vmul.f32 v32, v29;
	[tilespmem:s1+$0x60] =	vst @p2 v6;
	v6 =	vsub.f32 @p1 $0.0e+00, v9  }
0x279: {  	s12 =	smov.u32 @p1 s15;
	v33 =	vmax.f32 v8, $0.0e+00;
	v11 =	vld @p2 [tilespmem:s17+$0xFFFFFFF0];
	v0 =	vsub.f32 @p1 v0, v9  }
0x27a: {  	v12 =	vld @p2 [tilespmem:s17+$0x70];
	v34 =	vadd.f32 v10, v33;
	[tilespmem:s12+$0xFFFFFFD0] =	vst @p1 v6  }
0x27b: {  	s15 =	smov.u32 @p1 s16;
	[tilespmem:s12+$0x50] =	vst @p1 v0  }
0x27c: {  	v9 =	vsub.f32 $0.0e+00, v34;
	v0 =	vld @p1 [tilespmem:s15+$0x60]  }
0x27d: {  	v6 =	vsub.f32 v8, v34;
	v10 =	vld @p1 [tilespmem:s15+$0xFFFFFFE0]  }
0x27e: {  	[tilespmem:s21+$0xFFFFFFC0] =	vst v9  }
0x27f: {  	[tilespmem:s21+$0x40] =	vst v6;
	v8 =	vand.u32 @p2 $0x7F, v11;
	v9 =	vshll.u32 @p2 v11, $0x1;
	v11 =	vshll.u32 @p2 v12, $0x1  }
0x280: {  	v35 =	vld [tilespmem:s9+$0xFFFFFFD0];
	v6 =	vand.u32 @p2 $0xFFFFFF00, v9;
	v9 =	vand.u32 @p2 $0x7F, v12;
	v11 =	vand.u32 @p2 $0xFFFFFF00, v11  }
0x281: {  	v36 =	vld [tilespmem:s9+$0x50];
	v6 =	vor.u32 @p2 v8, v6;
	v8 =	vor.u32 @p2 v11, v9;
	v0 =	vpsel p1, v0, v0  }
0x282: {  	v8 =	vor.u32 @p2 $0x80, v8;
	v10 =	vpsel p1, v10, v0  }
0x283: {  	v11 =	vshll.u32 @p1 v0, $0x1;
	v0 =	vand.u32 @p1 $0x7F, v0;
	v13 =	vshll.u32 @p1 v10, $0x1  }
0x284: {  	v11 =	vand.u32 @p1 $0xFFFFFF00, v11;
	v10 =	vand.u32 @p1 $0x7F, v10;
	v13 =	vand.u32 @p1 $0xFFFFFF00, v13  }
0x285: {  	v37 =	vand.u32 $0x7F, v35;
	v0 =	vor.u32 @p1 v11, v0;
	v10 =	vor.u32 @p1 v10, v13  }
0x286: {  	v12 =	vshll.u32 v35, $0x1;
	v38 =	vshll.u32 v36, $0x1;
	v0 =	vor.u32 @p1 $0x80, v0  }
0x287: {  	v9 =	vand.u32 $0x7F, v36;
	v12 =	vand.u32 $0xFFFFFF00, v12;
	v13 =	vand.u32 $0xFFFFFF00, v38  }
0x288: {  	v6 =	vld.idx.msk @p2 [tilespmem:v6+s2+$0x0], $0xffff;
	v11 =	vor.u32 v37, v12;
	v9 =	vor.u32 v13, v9  }
0x289: {  	v8 =	vld.idx.msk @p2 [tilespmem:v8+s2+$0x0], $0xffff;
	v9 =	vor.u32 $0x80, v9  }
0x28a: {  	v10 =	vld.idx.msk @p1 [tilespmem:v10+s2+$0x0], $0xffff  }
0x28b: {  	v12 =	vld.idx.msk @p1 [tilespmem:v0+s2+$0x0], $0xffff;
	_ =	sdelay $0x1  }
0x28c: {  	v11 =	vld.idx.msk [tilespmem:v11+s2+$0x0], $0xffff  }
0x28d: {  	v0 =	vadd.f32 @p2 v8, v6;
	v39 =	vld.idx.msk [tilespmem:v9+s2+$0x0], $0xffff;
	_ =	sdelay $0x1  }
0x28e: {  	v8 =	vand.u32 @p2 $0x7FFFFFFF, v0;
	v9 =	vadd.f32 @p1 v12, v10  }
0x28f: {  	v8 =	vsub.f32 @p2 $0.0e+00, v8  }
0x290: {  	v10 =	vand.u32 @p1 $0x7FFFFFFF, v9  }
0x291: {  	v8 =	vpsel p2, v8, v0;
	v11 =	vadd.f32 v39, v11;
	v10 =	vsub.f32 @p1 $0.0e+00, v10  }
0x292: {  	v6 =	vmul.f32 @p2 $1.442695020e+00, v8  }
0x293: {  	v40 =	vand.u32 $0x7FFFFFFF, v11;
	v8 =	vmul.f32 @p1 $1.442695020e+00, v10  }
0x294: {  	(erf) = vpow2.f32 @p2 v6;
	v41 =	vsub.f32 $0.0e+00, v40  }
0x295: {  	(erf) = vpow2.f32 @p1 v8  }
0x296: {  	v6 =	vmul.f32 $1.442695020e+00, v41;
	_ =	sdelay $0x1  }
0x297: {  	(erf) = vpow2.f32 v6;
	_ =	sdelay $0x4  }
0x298: {  	v6 =	vpop @p2 (erf)  }
0x299: {  	v8 =	vpop @p1 (erf)  }
0x29a: {  	v10 =	vmul.f32 @p1 $1.146649720e-01, v8;
	_ =	sdelay $0x1  }
0x29b: {  	v42 =	vpop (erf);
	v10 =	vadd.f32 @p1 $-4.084399340e-01, v10  }
0x29c: {  	v43 =	vmul.f32 $1.146649720e-01, v42  }
0x29d: {  	v10 =	vmul.f32 @p1 v10, v8  }
0x29e: {  	v13 =	vadd.f32 $-4.084399340e-01, v43  }
0x29f: {  	v10 =	vadd.f32 @p1 $9.874607320e-01, v10  }
0x2a0: {  	v13 =	vmul.f32 v13, v42  }
0x2a1: {  	v8 =	vmul.f32 @p1 v10, v8  }
0x2a2: {  	v10 =	vmax.f32 @p1 v9, $0.0e+00;
	v13 =	vadd.f32 $9.874607320e-01, v13  }
0x2a3: {  	v8 =	vadd.f32 @p1 v8, v10  }
0x2a4: {  	v44 =	vmul.f32 v13, v42  }
0x2a5: {  	v45 =	vmax.f32 v11, $0.0e+00;
	v12 =	vsub.f32 @p1 $0.0e+00, v8  }
0x2a6: {  	s12 =	smov.u32 @p1 s12;
	v8 =	vsub.f32 @p1 v9, v8;
	v46 =	vadd.f32 v44, v45  }
0x2a7: {  	[tilespmem:s12+$0xFFFFFFE0] =	vst @p1 v12  }
0x2a8: {  	s15 =	smov.u32 @p1 s15;
	[tilespmem:s12+$0x60] =	vst @p1 v8;
	v47 =	vsub.f32 $0.0e+00, v46  }
0x2a9: {  	v9 =	vsub.f32 v11, v46;
	v10 =	vld @p1 [tilespmem:s15+$0x70]  }
0x2aa: {  	v11 =	vld @p1 [tilespmem:s15+$0xFFFFFFF0];
	[tilespmem:s21+$0xFFFFFFD0] =	vst v47  }
0x2ab: {  	[tilespmem:s21+$0x50] =	vst v9  }
0x2ac: {  	v8 =	vld [tilespmem:s9+$0xFFFFFFE0]  }
0x2ad: {  	v9 =	vld [tilespmem:s9+$0x60];
	_ =	sdelay $0x1  }
0x2ae: {  	v12 =	vshll.u32 @p1 v10, $0x1;
	v13 =	vshll.u32 @p1 v11, $0x1;
	v10 =	vand.u32 @p1 $0x7F, v10  }
0x2af: {  	v11 =	vand.u32 @p1 $0x7F, v11;
	v12 =	vand.u32 @p1 $0xFFFFFF00, v12;
	v13 =	vand.u32 @p1 $0xFFFFFF00, v13  }
0x2b0: {  	v10 =	vor.u32 @p1 v12, v10;
	v11 =	vor.u32 @p1 v11, v13;
	v48 =	vand.u32 $0x7F, v8  }
0x2b1: {  	v8 =	vshll.u32 v8, $0x1;
	v49 =	vshll.u32 v9, $0x1;
	v9 =	vand.u32 $0x7F, v9  }
0x2b2: {  	v10 =	vor.u32 @p1 $0x80, v10;
	v8 =	vand.u32 $0xFFFFFF00, v8;
	v13 =	vand.u32 $0xFFFFFF00, v49  }
0x2b3: {  	v8 =	vor.u32 v48, v8;
	v9 =	vor.u32 v13, v9  }
0x2b4: {  	v9 =	vor.u32 $0x80, v9;
	_ =	sdelay $0x1  }
0x2b5: {  	v11 =	vld.idx.msk @p1 [tilespmem:v11+s2+$0x0], $0xffff  }
0x2b6: {  	v10 =	vld.idx.msk @p1 [tilespmem:v10+s2+$0x0], $0xffff  }
0x2b7: {  	v8 =	vld.idx.msk [tilespmem:v8+s2+$0x0], $0xffff  }
0x2b8: {  	v9 =	vld.idx.msk [tilespmem:v9+s2+$0x0], $0xffff;
	_ =	sdelay $0x2  }
0x2b9: {  	v10 =	vadd.f32 @p1 v10, v11;
	_ =	sdelay $0x1  }
0x2ba: {  	v11 =	vand.u32 @p1 $0x7FFFFFFF, v10;
	v8 =	vadd.f32 v9, v8  }
0x2bb: {  	v9 =	vsub.f32 @p1 $0.0e+00, v11  }
0x2bc: {  	v50 =	vand.u32 $0x7FFFFFFF, v8  }
0x2bd: {  	v9 =	vpsel p1, v9, v0;
	v11 =	vsub.f32 $0.0e+00, v50  }
0x2be: {  	v9 =	vmul.f32 @p1 $1.442695020e+00, v9  }
0x2bf: {  	v11 =	vmul.f32 $1.442695020e+00, v11  }
0x2c0: {  	(erf) = vpow2.f32 @p1 v9  }
0x2c1: {  	(erf) = vpow2.f32 v11;
	_ =	sdelay $0x7  }
0x2c2: {  	v9 =	vpop @p1 (erf)  }
0x2c3: {  	v11 =	vpop (erf)  }
0x2c4: {  	v51 =	vmul.f32 $1.146649720e-01, v11;
	_ =	sdelay $0x1  }
0x2c5: {  	v12 =	vadd.f32 $-4.084399340e-01, v51;
	_ =	sdelay $0x1  }
0x2c6: {  	v12 =	vmul.f32 v12, v11;
	_ =	sdelay $0x1  }
0x2c7: {  	v12 =	vadd.f32 $9.874607320e-01, v12;
	_ =	sdelay $0x1  }
0x2c8: {  	v11 =	vmul.f32 v12, v11  }
0x2c9: {  	v52 =	vmax.f32 v8, $0.0e+00  }
0x2ca: {  	v11 =	vadd.f32 v11, v52;
	_ =	sdelay $0x1  }
0x2cb: {  	v12 =	vsub.f32 $0.0e+00, v11  }
0x2cc: {  	v8 =	vsub.f32 v8, v11  }
0x2cd: {  	[tilespmem:s21+$0xFFFFFFE0] =	vst v12  }
0x2ce: {  	[tilespmem:s21+$0x60] =	vst v8  }
0x2cf: {  	v8 =	vld [tilespmem:s9+$0xFFFFFFF0]  }
0x2d0: {  	v53 =	vld [tilespmem:s9+$0x70];
	_ =	sdelay $0x4  }
0x2d1: {  	v54 =	vand.u32 $0x7F, v8;
	v8 =	vshll.u32 v8, $0x1;
	v55 =	vshll.u32 v53, $0x1  }
0x2d2: {  	v11 =	vand.u32 $0x7F, v53;
	v8 =	vand.u32 $0xFFFFFF00, v8;
	v13 =	vand.u32 $0xFFFFFF00, v55  }
0x2d3: {  	v8 =	vor.u32 v54, v8;
	v11 =	vor.u32 v13, v11  }
0x2d4: {  	v11 =	vor.u32 $0x80, v11;
	_ =	sdelay $0x3  }
0x2d5: {  	v8 =	vld.idx.msk [tilespmem:v8+s2+$0x0], $0xffff  }
0x2d6: {  	v11 =	vld.idx.msk [tilespmem:v11+s2+$0x0], $0xffff;
	_ =	sdelay $0x4  }
0x2d7: {  	v8 =	vadd.f32 v11, v8;
	_ =	sdelay $0x1  }
0x2d8: {  	v11 =	vand.u32 $0x7FFFFFFF, v8  }
0x2d9: {  	v12 =	vmul.f32 @p5 $1.146649720e-01, v7;
	v11 =	vsub.f32 $0.0e+00, v11  }
0x2da: {  	v13 =	vmul.f32 @p4 $1.146649720e-01, v3  }
0x2db: {  	v12 =	vadd.f32 @p5 $-4.084399340e-01, v12;
	v11 =	vmul.f32 $1.442695020e+00, v11  }
0x2dc: {  	v13 =	vadd.f32 @p4 $-4.084399340e-01, v13  }
0x2dd: {  	v12 =	vmul.f32 @p5 v12, v7;
	(erf) = vpow2.f32 v11  }
0x2de: {  	v11 =	vmul.f32 @p4 v13, v3  }
0x2df: {  	v12 =	vadd.f32 @p5 $9.874607320e-01, v12  }
0x2e0: {  	v13 =	vmul.f32 @p3 $1.146649720e-01, v4;
	v11 =	vadd.f32 @p4 $9.874607320e-01, v11  }
0x2e1: {  	v5 =	vpsel p4, v5, v0;
	v7 =	vmul.f32 @p5 v12, v7;
	v12 =	vmax.f32 @p5 v1, $0.0e+00  }
0x2e2: {  	v3 =	vmul.f32 @p4 v11, v3;
	v11 =	vadd.f32 @p3 $-4.084399340e-01, v13;
	v13 =	vmul.f32 @p2 $1.146649720e-01, v6  }
0x2e3: {  	v7 =	vadd.f32 @p5 v7, v12;
	v12 =	vmax.f32 @p4 v5, $0.0e+00  }
0x2e4: {  	v3 =	vadd.f32 @p4 v3, v12;
	v11 =	vmul.f32 @p3 v11, v4;
	v12 =	vadd.f32 @p2 $-4.084399340e-01, v13  }
0x2e5: {  	v2 =	vpsel p3, v2, v0;
	v13 =	vmul.f32 @p1 $1.146649720e-01, v9  }
0x2e6: {  	v0 =	vpsel p2, v0, v0;
	v11 =	vadd.f32 @p3 $9.874607320e-01, v11;
	v12 =	vmul.f32 @p2 v12, v6;
	v56 =	vpop (erf)  }
0x2e7: {  	v1 =	vsub.f32 @p5 v1, v7;
	v13 =	vadd.f32 @p1 $-4.084399340e-01, v13;
	v57 =	vmul.f32 $1.146649720e-01, v56  }
0x2e8: {  	v7 =	vsub.f32 @p5 $0.0e+00, v7;
	v4 =	vmul.f32 @p3 v11, v4;
	v11 =	vadd.f32 @p2 $9.874607320e-01, v12  }
0x2e9: {  	v12 =	vmax.f32 @p3 v2, $0.0e+00;
	v13 =	vmul.f32 @p1 v13, v9;
	v15 =	vadd.f32 $-4.084399340e-01, v57  }
0x2ea: {  	[tilespmem:s23+$0x70] =	vst @p5 v1;
	v1 =	vmax.f32 @p2 v0, $0.0e+00;
	v5 =	vsub.f32 @p4 v5, v3;
	v4 =	vadd.f32 @p3 v4, v12  }
0x2eb: {  	s9 =	smov.u32 @p4 s26;
	v6 =	vmul.f32 @p2 v11, v6;
	v11 =	vadd.f32 @p1 $9.874607320e-01, v13;
	v58 =	vmul.f32 v15, v56  }
0x2ec: {  	v3 =	vsub.f32 @p4 $0.0e+00, v3;
	[tilespmem:s9+$0x70] =	vst @p4 v5;
	v5 =	vpsel p1, v10, v0;
	v2 =	vsub.f32 @p3 v2, v4  }
0x2ed: {  	[tilespmem:s23+$0xFFFFFFF0] =	vst @p5 v7;
	v1 =	vadd.f32 @p2 v6, v1;
	v6 =	vmul.f32 @p1 v11, v9;
	v59 =	vadd.f32 $9.874607320e-01, v58  }
0x2ee: {  	s0 =	smov.u32 @p3 s0;
	[tilespmem:s9+$0xFFFFFFF0] =	vst @p4 v3;
	v3 =	vsub.f32 @p3 $0.0e+00, v4;
	v4 =	vmax.f32 @p1 v5, $0.0e+00  }
0x2ef: {  	[tilespmem:s0+$0x70] =	vst @p3 v2;
	v0 =	vsub.f32 @p2 v0, v1;
	v2 =	vadd.f32 @p1 v6, v4;
	v60 =	vmul.f32 v59, v56  }
0x2f0: {  	v61 =	vmax.f32 v8, $0.0e+00;
	[tilespmem:s0+$0xFFFFFFF0] =	vst @p3 v3;
	s0 =	smov.u32 @p2 s1;
	v1 =	vsub.f32 @p2 $0.0e+00, v1  }
0x2f1: {  	[tilespmem:s0+$0x70] =	vst @p2 v0;
	v0 =	vsub.f32 @p1 v5, v2;
	v3 =	vadd.f32 v60, v61  }
0x2f2: {  	[tilespmem:s0+$0xFFFFFFF0] =	vst @p2 v1;
	s0 =	smov.u32 @p1 s12;
	v1 =	vsub.f32 @p1 $0.0e+00, v2  }
0x2f3: {  	[tilespmem:s0+$0x70] =	vst @p1 v0;
	v62 =	vsub.f32 v8, v3  }
0x2f4: {  	[tilespmem:s0+$0xFFFFFFF0] =	vst @p1 v1;
	v63 =	vsub.f32 $0.0e+00, v3  }
0x2f5: {  	[tilespmem:s21+$0x70] =	vst v62  }
0x2f6: {  	s31 =	simm.s32 $0x7800;
	[tilespmem:s21+$0xFFFFFFF0] =	vst v63  }
0x2f7: {  	[hbm4b:s6+s2] =	stream.linear.scatter [tilespmem:s31], [sflag:$0x3], $0x2700, $0x38;
	[tilespmem:$0xA100] =	vst v63  }
0x2f8: {  	_ =	swait.ge [sflag:s13], $0x2700  }
0x2f9: {  	s14 =	sadd.s32 $0x1, s14;
	s1 =	simm.s32 @p0 $0x9F00;
	[sflag:s13] =	ssyncset.done $0x0  }
0x2fa: {  	s0 =	simm.s32 @p0 $0x0;
	p1 =	sne.s32 s14, s8;
	[sflag:s13] =	ssyncadd.s32 $0xFFFFD900  }
0x2fb: {  	[hbm4b:s7+s0] =	stream.linear.scatter @p0 [tilespmem:s1], [sflag:$0x3], $0x200, $0x38;
	[tilespmem:$0xA100] =	vst v63  }
.Ltmp7:
0x2fc: {  	_ = 	snop;
	(pc) =	sbr.rel @p1 .LBB2_1-.Ltmp7, $4  }
.Ltmp8:
0x2fd: {  	s0 =	simm.s32 @p0 $0x3;
	(pc) =	sbr.rel @!p1 .LBB2_16-.Ltmp8, $4  }
0x2fe: {  	_ =	swait.ge @p0 [sflag:s0], $0x200  }
0x2ff: {  	[sflag:s0] =	ssyncset.done @p0 $0x0  }
0x300: {  	[sflag:s0] =	ssyncadd.s32 @p0 $0xFFFFFE00  }
0x301: {  	_ = 	snop  }
.LBB2_2:
.Ltmp9:
0x302: {  	(pc) =	sbr.rel .LBB2_15-.Ltmp9, $2  }
0x303: {  	_ =	sdelay $0x2  }
0x304: {  	s21 =	simm.s32 $0x7880;
	s26 =	simm.s32 $0x4F80;
	s9 =	simm.s32 $0x4F80  }
.LBB2_4:
.Ltmp10:
0x305: {  	(pc) =	sbr.rel .LBB2_15-.Ltmp10, $3  }
0x306: {  	_ =	sdelay $0x1  }
0x307: {  	s21 =	simm.s32 $0x7980;
	s26 =	simm.s32 $0x5080  }
0x308: {  	s24 =	simm.s32 $0x7880;
	s25 =	simm.s32 $0x4F80;
	s9 =	simm.s32 $0x5080  }
.LBB2_6:
.Ltmp11:
0x309: {  	(pc) =	sbr.rel .LBB2_15-.Ltmp11, $4  }
0x30a: {  	_ = 	snop  }
0x30b: {  	s21 =	simm.s32 $0x7A80  }
0x30c: {  	s26 =	simm.s32 $0x5180;
	s12 =	simm.s32 $0x7880;
	s24 =	simm.s32 $0x7980  }
0x30d: {  	s1 =	simm.s32 $0x4F80;
	s25 =	simm.s32 $0x5080;
	s9 =	simm.s32 $0x5180  }
.LBB2_8:
.Ltmp12:
0x30e: {  	(pc) =	sbr.rel .LBB2_15-.Ltmp12, $4  }
0x30f: {  	_ = 	snop  }
0x310: {  	s21 =	simm.s32 $0x7B80;
	s26 =	simm.s32 $0x5280  }
0x311: {  	s29 =	simm.s32 $0x7880;
	s28 =	simm.s32 $0x4F80;
	s12 =	simm.s32 $0x7980  }
0x312: {  	v7 =	vmov v0;
	s24 =	simm.s32 $0x7A80;
	s1 =	simm.s32 $0x5080;
	s25 =	simm.s32 $0x5180  }
.LBB2_10:
.Ltmp13:
0x313: {  	_ = 	snop;
	(pc) =	sbr.rel .LBB2_15-.Ltmp13, $4  }
0x314: {  	s21 =	simm.s32 $0x7C80  }
0x315: {  	s26 =	simm.s32 $0x5380;
	s29 =	simm.s32 $0x7980;
	s28 =	simm.s32 $0x5080  }
0x316: {  	s31 =	simm.s32 $0x7880;
	s12 =	simm.s32 $0x7A80;
	s1 =	simm.s32 $0x5180  }
0x317: {  	v7 =	vmovc v2;
	s0 =	simm.s32 $0x4F80;
	s25 =	simm.s32 $0x5280;
	s9 =	simm.s32 $0x5380;
	v9 =	vmovc v3;
	v11 =	vmov v4;
	v15 =	vmov v5;
	v16 =	vmov v6  }
.LBB2_12:
.Ltmp14:
0x318: {  	(pc) =	sbr.rel .LBB2_15-.Ltmp14, $4  }
0x319: {  	_ = 	snop  }
0x31a: {  	s29 =	simm.s32 $0x7A80;
	s28 =	simm.s32 $0x5180;
	s23 =	simm.s32 $0x7880  }
0x31b: {  	s31 =	simm.s32 $0x7980;
	s12 =	simm.s32 $0x7B80;
	s24 =	simm.s32 $0x7C80  }
0x31c: {  	s1 =	simm.s32 $0x5280;
	s0 =	simm.s32 $0x5080;
	s9 =	simm.s32 $0x5480  }
.LBB2_16:
0x31d: {  	_ =	sfence.sel $0x180000  }
0x31e: {  	[bflag:$0x0] =	sbarrier.arrive $0xFFFF  }
0x31f: {  	_ =	strace $0x90000047  }
0x320: {  	s0 =	stileid.u32;
	[bflag:$0x2] =	sbarrier.arrive $0xFFFF  }
0x321: {  	p0 =	sne.s32 s0, $0x0;
	s0 =	rddreg [dreg:$0x3]  }
0x322: {  	s0 =	sadd.s32 @!p0 $0x100000, s0  }
0x323: {  	[sflag:s0] =	ssyncadd.tile.s32 @!p0 $0x1;
	_ =	shalt  }
.Lfunc_end2:
_tile_overlayer_lowered:
.L_overlay_start_2:
0x324: {  	(tag) =	ssettag $0x2  }
0x325: {  	s0 =	rddreg [dreg:$0x0];
	s2 =	stileid.u32  }
0x326: {  	s1 =	rddreg [dreg:$0x1];
	p0 =	sne.s32 s2, $0x0  }
0x327: {  	s3 =	rddreg [dreg:$0x2];
	[bflag:$0x3] =	sbarrier.arrive $0xFFFF;
	s2 =	simm.s32 @!p0 $0x1C03  }
0x328: {  	[timem:s3], [sflag:s2] =	dma.local @!p0 [hbm:s0], s1  }
0x329: {  	s0 =	simm.s32 @!p0 $0x3  }
0x32a: {  	_ =	swait.ge @!p0 [sflag:s0], s1  }
0x32b: {  	s1 =	ssub.s32 @!p0 $0x0, s1;
	[sflag:s0] =	ssyncset.done @!p0 $0x0  }
0x32c: {  	[sflag:s0] =	ssyncadd.s32 @!p0 s1  }
0x32d: {  	[bflag:$0x3] =	sbarrier.arrive $0xFFFF  }
0x32e: {  	_ =	shalt  }

</sc_bundles>
